<compile_context>
chip_gen: v7x
topology: tpu7x:2x2x1
jax: 0.10.2.dev20260603
libtpu: 0.0.44.dev20260713+nightly
codegen_flags: <defaults>
</compile_context>

<pallas_src>
import functools

import jax
import jax.numpy as jnp
from jax.experimental import pallas as pl
from jax.experimental.pallas import tpu as pltpu

_N_CLASS = 21
_R = 5000
_CM1 = _N_CLASS - 1
_NMS_THRESH = 0.3
_SCORE_THRESH = 0.05
_B = 512
_R_PAD = 5120


def _pair_iou(py1, px1, py2, px2, parea, cy1, cx1, cy2, cx2, carea):
    ih = jnp.maximum(
        jnp.minimum(py2[:, None], cy2[None, :]) - jnp.maximum(py1[:, None], cy1[None, :]),
        0.0,
    )
    iw = jnp.maximum(
        jnp.minimum(px2[:, None], cx2[None, :]) - jnp.maximum(px1[:, None], cx1[None, :]),
        0.0,
    )
    inter = ih * iw
    return inter / (parea[:, None] + carea[None, :] - inter + 1e-9)


def _nms_body(nb_ref, data_ref, keep_ref):
    c = pl.program_id(0)
    nb = nb_ref[c]

    keep_ref[0, 0, :] = jnp.zeros((_R_PAD,), jnp.float32)

    def block_body(i, carry):
        base = i * _B
        cy1 = data_ref[0, 0, pl.ds(base, _B)]
        cx1 = data_ref[0, 1, pl.ds(base, _B)]
        cy2 = data_ref[0, 2, pl.ds(base, _B)]
        cx2 = data_ref[0, 3, pl.ds(base, _B)]
        cval = data_ref[0, 4, pl.ds(base, _B)]
        carea = jnp.maximum(cy2 - cy1, 0.0) * jnp.maximum(cx2 - cx1, 0.0)

        def prev_body(j, ext):
            pb = j * _B
            py1 = data_ref[0, 0, pl.ds(pb, _B)]
            px1 = data_ref[0, 1, pl.ds(pb, _B)]
            py2 = data_ref[0, 2, pl.ds(pb, _B)]
            px2 = data_ref[0, 3, pl.ds(pb, _B)]
            pkeep = keep_ref[0, 0, pl.ds(pb, _B)]
            parea = jnp.maximum(py2 - py1, 0.0) * jnp.maximum(px2 - px1, 0.0)
            iou = _pair_iou(py1, px1, py2, px2, parea, cy1, cx1, cy2, cx2, carea)
            sup = jnp.where(iou > _NMS_THRESH, pkeep[:, None], 0.0)
            return jnp.maximum(ext, jnp.max(sup, axis=0))

        ext_sup = jax.lax.fori_loop(0, i, prev_body, jnp.zeros((_B,), jnp.float32))

        iou_bb = _pair_iou(cy1, cx1, cy2, cx2, carea, cy1, cx1, cy2, cx2, carea)
        rows = jax.lax.broadcasted_iota(jnp.int32, (_B, _B), 0)
        cols = jax.lax.broadcasted_iota(jnp.int32, (_B, _B), 1)
        msup = jnp.where((iou_bb > _NMS_THRESH) & (rows < cols), 1.0, 0.0)

        supp0 = jnp.maximum(1.0 - cval, ext_sup)
        keep0 = jnp.zeros((_B,), jnp.float32)
        und0 = cval * (1.0 - supp0)

        def peel_once(state):
            keep, supp, und = state
            pot = jnp.max(msup * (1.0 - supp)[:, None], axis=0)
            new_keep = und * (1.0 - pot)
            keep = jnp.maximum(keep, new_keep)
            new_supp = und * jnp.max(msup * keep[:, None], axis=0)
            supp = jnp.maximum(supp, new_supp)
            und = und * (1.0 - keep) * (1.0 - supp)
            return keep, supp, und

        def peel_cond(state):
            return jnp.max(state[2]) > 0.0

        def peel4(state):
            for _ in range(4):
                state = peel_once(state)
            return state

        keep, _, _ = jax.lax.while_loop(
            peel_cond, peel4, peel4((keep0, supp0, und0))
        )
        keep_ref[0, 0, pl.ds(base, _B)] = keep
        return carry

    jax.lax.fori_loop(0, nb, block_body, 0, unroll=False)


@functools.partial(jax.jit)
def kernel(raw_cls_bbox, raw_prob):
    boxes_cls = jnp.transpose(
        raw_cls_bbox.reshape(_R, _N_CLASS, 4)[:, 1:, :], (1, 0, 2)
    )
    probs_cls = jnp.transpose(raw_prob[:, 1:], (1, 0))

    valid = probs_cls > _SCORE_THRESH
    order = jnp.argsort(-jnp.where(valid, probs_cls, -jnp.inf), axis=1)
    sb = jnp.take_along_axis(boxes_cls, order[:, :, None], axis=1)
    sv = jnp.take_along_axis(valid, order, axis=1)

    nvalid = jnp.sum(valid.astype(jnp.int32), axis=1)
    nblocks = (nvalid + (_B - 1)) // _B

    comp = jnp.transpose(sb, (0, 2, 1))
    data = jnp.concatenate(
        [comp, sv.astype(jnp.float32)[:, None, :], jnp.zeros((_CM1, 3, _R), jnp.float32)],
        axis=1,
    )
    data = jnp.pad(data, ((0, 0), (0, 0), (0, _R_PAD - _R)))

    grid_spec = pltpu.PrefetchScalarGridSpec(
        num_scalar_prefetch=1,
        grid=(_CM1,),
        in_specs=[pl.BlockSpec((1, 8, _R_PAD), lambda c, nb: (c, 0, 0))],
        out_specs=pl.BlockSpec((1, 1, _R_PAD), lambda c, nb: (c, 0, 0)),
    )
    keep_sorted = pl.pallas_call(
        _nms_body,
        grid_spec=grid_spec,
        out_shape=jax.ShapeDtypeStruct((_CM1, 1, _R_PAD), jnp.float32),
    )(nblocks, data)

    keep_sorted = keep_sorted[:, 0, :_R]
    inv = jnp.argsort(order, axis=1)
    m = jnp.take_along_axis(keep_sorted, inv, axis=1)

    out = jnp.concatenate(
        [boxes_cls * m[:, :, None], (probs_cls * m)[:, :, None]], axis=-1
    )
    return out

# --- scband reference (transcript-rebuilt; emitter-appended) ---
"""Pipeline reference for scband-faster-rcnn-31490700214795 (READ-ONLY COPY).

The authoritative reference and input builder live on the scoring server;
editing this copy changes nothing except your own understanding.
"""

import jax, jax.numpy as jnp
import numpy as np

N_CLASS = 21
R = 5000
NMS_THRESH = 0.3
SCORE_THRESH = 0.05


def setup_inputs(seed: int = 0) -> dict:
    key = jax.random.key(seed)
    k1, k2, k3, k4, k5 = jax.random.split(key, 5)
    y1 = jax.random.uniform(k1, (R, N_CLASS), minval=0.0, maxval=480.0)
    x1 = jax.random.uniform(k2, (R, N_CLASS), minval=0.0, maxval=640.0)
    h = jax.random.uniform(k3, (R, N_CLASS), minval=16.0, maxval=160.0)
    w = jax.random.uniform(k4, (R, N_CLASS), minval=16.0, maxval=160.0)
    boxes = jnp.stack([y1, x1, y1 + h, x1 + w], axis=-1)  # [R, C, 4] (y1,x1,y2,x2)
    raw_cls_bbox = boxes.reshape(R, N_CLASS * 4).astype(jnp.float32)
    logits = jax.random.normal(k5, (R, N_CLASS)) * 2.0
    raw_prob = jax.nn.softmax(logits, axis=1).astype(jnp.float32)
    return {"raw_cls_bbox": raw_cls_bbox, "raw_prob": raw_prob}


def _nms_keep(boxes, scores):
    # boxes: [N,4] (y1,x1,y2,x2); scores: [N]. Returns bool keep mask in original order.
    n = boxes.shape[0]
    valid = scores > SCORE_THRESH
    order = jnp.argsort(-jnp.where(valid, scores, -jnp.inf))
    b = boxes[order]
    v = valid[order]
    y1, x1, y2, x2 = b[:, 0], b[:, 1], b[:, 2], b[:, 3]
    areas = jnp.maximum(y2 - y1, 0.0) * jnp.maximum(x2 - x1, 0.0)
    ih = jnp.maximum(jnp.minimum(y2[:, None], y2[None, :]) - jnp.maximum(y1[:, None], y1[None, :]), 0.0)
    iw = jnp.maximum(jnp.minimum(x2[:, None], x2[None, :]) - jnp.maximum(x1[:, None], x1[None, :]), 0.0)
    inter = ih * iw
    iou = inter / (areas[:, None] + areas[None, :] - inter + 1e-9)
    idx = jnp.arange(n)
    def body(i, keep):
        sup = jnp.any(keep & (idx < i) & (iou[i] > NMS_THRESH))
        return keep.at[i].set(v[i] & jnp.logical_not(sup))
    keep_sorted = jax.lax.fori_loop(0, n, body, jnp.zeros((n,), dtype=bool))
    keep_orig = jnp.zeros((n,), dtype=bool).at[order].set(keep_sorted)
    return keep_orig


def _suppress(raw_cls_bbox, raw_prob):
    # Faithful to FasterRCNN._suppress with 'evaluate' preset (nms_thresh=0.3, score_thresh=0.05),
    # skipping background class l=0; outputs padded/masked to fixed shape [n_class-1, R, 5]
    # (4 bbox coords + score, zeroed where suppressed) so results are jit/vjp friendly.
    cls_bbox = raw_cls_bbox.reshape(-1, N_CLASS, 4)
    boxes_cls = jnp.transpose(cls_bbox[:, 1:, :], (1, 0, 2))  # [C-1, R, 4]
    probs_cls = jnp.transpose(raw_prob[:, 1:], (1, 0))        # [C-1, R]
    keep = jax.lax.map(
        lambda a: _nms_keep(a[0], a[1]),
        (jax.lax.stop_gradient(boxes_cls), jax.lax.stop_gradient(probs_cls)),
    )  # [C-1, R] bool
    m = keep.astype(raw_cls_bbox.dtype)
    out = jnp.concatenate([boxes_cls * m[:, :, None], (probs_cls * m)[:, :, None]], axis=-1)
    return out  # [C-1, R, 5]


def reference(raw_cls_bbox, raw_prob):
    return _suppress(raw_cls_bbox, raw_prob)

if __name__ == "__main__":
    import jax
    _d = setup_inputs()
    print(jax.jit(kernel)(*tuple(_d.values())))

</pallas_src>

<mosaic_0001>
module attributes {stable_mosaic.version = 14 : i64} {
  func.func @_nms_body(%arg0: i32, %arg1: memref<20xi32, #tpu.memory_space<smem>>, %arg2: memref<1x8x5120xf32, #tpu.memory_space<vmem>>, %arg3: memref<1x1x5120xf32, #tpu.memory_space<vmem>>) attributes {dimension_semantics = [#tpu.dimension_semantics<arbitrary>], iteration_bounds = array<i64: 20>, scalar_prefetch = 1 : i64, scratch_operands = 0 : i64, tpu.core_type = #tpu.core_type<tc>, window_params = [{transform_indices = @transform_0, window_bounds = array<i64: 1, 8, 5120>}, {transform_indices = @transform_1, window_bounds = array<i64: 1, 1, 5120>}]} {
    %get3A = arith.index_cast %arg0 : i32 to index
    %get3A_0 = memref.load %arg1[%get3A] : memref<20xi32, #tpu.memory_space<smem>>
    %broadcast_in_dim3A = arith.constant 0.000000e+00 : f32
    %broadcast_in_dim3A_1 = vector.broadcast %broadcast_in_dim3A : f32 to vector<5120xf32>
    %swap3A = arith.constant 0 : index
    %swap3A_2 = arith.constant 0 : index
    %swap3A_3 = arith.constant 0 : index
    %swap3A_4 = vector.load %arg3[%swap3A, %swap3A_2, %swap3A_3] : memref<1x1x5120xf32, #tpu.memory_space<vmem>>, vector<1x1x5120xf32>
    %swap3A_5 = vector.shape_cast %swap3A_4 : vector<1x1x5120xf32> to vector<5120xf32>
    %swap3A_6 = vector.shape_cast %broadcast_in_dim3A_1 : vector<5120xf32> to vector<1x1x5120xf32>
    tpu.vector_store %arg3[%swap3A, %swap3A_2, %swap3A_3], %swap3A_6 {strides = array<i32>} : memref<1x1x5120xf32, #tpu.memory_space<vmem>>, vector<1x1x5120xf32>,
    %while3A = arith.constant 0 : i32
    %while3A_7 = arith.constant 0 : i32
    %while3A_8 = arith.subi %get3A_0, %while3A_7 : i32
    %while3A_9 = arith.addi %while3A_7, %while3A_8 : i32
    %while3A_10 = arith.constant 1 : i32
    %while3A_11 = arith.divsi %while3A_8, %while3A_10 : i32
    %while3A_12 = arith.muli %while3A_11, %while3A_10 : i32
    %while3A_13 = arith.addi %while3A_7, %while3A_12 : i32
    %while3A_14 = arith.constant 1 : i32
    scf.for %while3A_16 = %while3A_7 to %while3A_13 step %while3A_14  : i32 {
      %mul3A = arith.constant 512 : i32
      %mul3A_17 = arith.muli %while3A_16, %mul3A : i32
      %get3A_18 = arith.constant 0 : index
      %get3A_19 = arith.constant 0 : index
      %get3A_20 = arith.index_cast %mul3A_17 : i32 to index
      %get3A_21 = vector.load %arg2[%get3A_18, %get3A_19, %get3A_20] : memref<1x8x5120xf32, #tpu.memory_space<vmem>>, vector<1x1x512xf32>
      %get3A_22 = vector.shape_cast %get3A_21 : vector<1x1x512xf32> to vector<512xf32>
      %get3A_23 = arith.constant 0 : index
      %get3A_24 = arith.constant 1 : index
      %get3A_25 = arith.index_cast %mul3A_17 : i32 to index
      %get3A_26 = vector.load %arg2[%get3A_23, %get3A_24, %get3A_25] : memref<1x8x5120xf32, #tpu.memory_space<vmem>>, vector<1x1x512xf32>
      %get3A_27 = vector.shape_cast %get3A_26 : vector<1x1x512xf32> to vector<512xf32>
      %get3A_28 = arith.constant 0 : index
      %get3A_29 = arith.constant 2 : index
      %get3A_30 = arith.index_cast %mul3A_17 : i32 to index
      %get3A_31 = vector.load %arg2[%get3A_28, %get3A_29, %get3A_30] : memref<1x8x5120xf32, #tpu.memory_space<vmem>>, vector<1x1x512xf32>
      %get3A_32 = vector.shape_cast %get3A_31 : vector<1x1x512xf32> to vector<512xf32>
      %get3A_33 = arith.constant 0 : index
      %get3A_34 = arith.constant 3 : index
      %get3A_35 = arith.index_cast %mul3A_17 : i32 to index
      %get3A_36 = vector.load %arg2[%get3A_33, %get3A_34, %get3A_35] : memref<1x8x5120xf32, #tpu.memory_space<vmem>>, vector<1x1x512xf32>
      %get3A_37 = vector.shape_cast %get3A_36 : vector<1x1x512xf32> to vector<512xf32>
      %get3A_38 = arith.constant 0 : index
      %get3A_39 = arith.constant 4 : index
      %get3A_40 = arith.index_cast %mul3A_17 : i32 to index
      %get3A_41 = vector.load %arg2[%get3A_38, %get3A_39, %get3A_40] : memref<1x8x5120xf32, #tpu.memory_space<vmem>>, vector<1x1x512xf32>
      %get3A_42 = vector.shape_cast %get3A_41 : vector<1x1x512xf32> to vector<512xf32>
      %sub3A = arith.subf %get3A_32, %get3A_22 : vector<512xf32>
      %max3A = arith.constant 0.000000e+00 : f32
      %max3A_43 = vector.broadcast %max3A : f32 to vector<512xf32>
      %max3A_44 = arith.maximumf %sub3A, %max3A_43 : vector<512xf32>
      %sub3A_45 = arith.subf %get3A_37, %get3A_27 : vector<512xf32>
      %max3A_46 = arith.constant 0.000000e+00 : f32
      %max3A_47 = vector.broadcast %max3A_46 : f32 to vector<512xf32>
      %max3A_48 = arith.maximumf %sub3A_45, %max3A_47 : vector<512xf32>
      %mul3A_49 = arith.mulf %max3A_44, %max3A_48 : vector<512xf32>
      %broadcast_in_dim3A_50 = arith.constant 0.000000e+00 : f32
      %broadcast_in_dim3A_51 = vector.broadcast %broadcast_in_dim3A_50 : f32 to vector<512xf32>
      %while3A_52 = arith.constant 0 : i32
      %while3A_53 = arith.subi %while3A_16, %while3A_52 : i32
      %while3A_54 = arith.addi %while3A_52, %while3A_53 : i32
      %while3A_55 = arith.constant 1 : i32
      %while3A_56 = arith.divsi %while3A_53, %while3A_55 : i32
      %while3A_57 = arith.muli %while3A_56, %while3A_55 : i32
      %while3A_58 = arith.addi %while3A_52, %while3A_57 : i32
      %while3A_59 = arith.constant 1 : i32
      %while3A_60 = scf.for %while3A_233 = %while3A_52 to %while3A_58 step %while3A_59 iter_args(%while3A_234 = %broadcast_in_dim3A_51) -> (vector<512xf32>)  : i32 {
        %mul3A_235 = arith.constant 512 : i32
        %mul3A_236 = arith.muli %while3A_233, %mul3A_235 : i32
        %get3A_237 = arith.constant 0 : index
        %get3A_238 = arith.constant 0 : index
        %get3A_239 = arith.index_cast %mul3A_236 : i32 to index
        %get3A_240 = vector.load %arg2[%get3A_237, %get3A_238, %get3A_239] : memref<1x8x5120xf32, #tpu.memory_space<vmem>>, vector<1x1x512xf32>
        %get3A_241 = vector.shape_cast %get3A_240 : vector<1x1x512xf32> to vector<512xf32>
        %get3A_242 = arith.constant 0 : index
        %get3A_243 = arith.constant 1 : index
        %get3A_244 = arith.index_cast %mul3A_236 : i32 to index
        %get3A_245 = vector.load %arg2[%get3A_242, %get3A_243, %get3A_244] : memref<1x8x5120xf32, #tpu.memory_space<vmem>>, vector<1x1x512xf32>
        %get3A_246 = vector.shape_cast %get3A_245 : vector<1x1x512xf32> to vector<512xf32>
        %get3A_247 = arith.constant 0 : index
        %get3A_248 = arith.constant 2 : index
        %get3A_249 = arith.index_cast %mul3A_236 : i32 to index
        %get3A_250 = vector.load %arg2[%get3A_247, %get3A_248, %get3A_249] : memref<1x8x5120xf32, #tpu.memory_space<vmem>>, vector<1x1x512xf32>
        %get3A_251 = vector.shape_cast %get3A_250 : vector<1x1x512xf32> to vector<512xf32>
        %get3A_252 = arith.constant 0 : index
        %get3A_253 = arith.constant 3 : index
        %get3A_254 = arith.index_cast %mul3A_236 : i32 to index
        %get3A_255 = vector.load %arg2[%get3A_252, %get3A_253, %get3A_254] : memref<1x8x5120xf32, #tpu.memory_space<vmem>>, vector<1x1x512xf32>
        %get3A_256 = vector.shape_cast %get3A_255 : vector<1x1x512xf32> to vector<512xf32>
        %get3A_257 = arith.constant 0 : index
        %get3A_258 = arith.constant 0 : index
        %get3A_259 = arith.index_cast %mul3A_236 : i32 to index
        %get3A_260 = vector.load %arg3[%get3A_257, %get3A_258, %get3A_259] : memref<1x1x5120xf32, #tpu.memory_space<vmem>>, vector<1x1x512xf32>
        %get3A_261 = vector.shape_cast %get3A_260 : vector<1x1x512xf32> to vector<512xf32>
        %sub3A_262 = arith.subf %get3A_251, %get3A_241 : vector<512xf32>
        %max3A_263 = arith.constant 0.000000e+00 : f32
        %max3A_264 = vector.broadcast %max3A_263 : f32 to vector<512xf32>
        %max3A_265 = arith.maximumf %sub3A_262, %max3A_264 : vector<512xf32>
        %sub3A_266 = arith.subf %get3A_256, %get3A_246 : vector<512xf32>
        %max3A_267 = arith.constant 0.000000e+00 : f32
        %max3A_268 = vector.broadcast %max3A_267 : f32 to vector<512xf32>
        %max3A_269 = arith.maximumf %sub3A_266, %max3A_268 : vector<512xf32>
        %mul3A_270 = arith.mulf %max3A_265, %max3A_269 : vector<512xf32>
        %broadcast_in_dim3A_271 = vector.shape_cast %get3A_251 : vector<512xf32> to vector<512x1xf32>
        %broadcast_in_dim3A_272 = vector.shape_cast %get3A_32 : vector<512xf32> to vector<1x512xf32>
        %min3A_273 = vector.broadcast %broadcast_in_dim3A_271 : vector<512x1xf32> to vector<512x512xf32>
        %min3A_274 = vector.broadcast %broadcast_in_dim3A_272 : vector<1x512xf32> to vector<512x512xf32>
        %min3A_275 = arith.minimumf %min3A_273, %min3A_274 : vector<512x512xf32>
        %broadcast_in_dim3A_276 = vector.shape_cast %get3A_241 : vector<512xf32> to vector<512x1xf32>
        %broadcast_in_dim3A_277 = vector.shape_cast %get3A_22 : vector<512xf32> to vector<1x512xf32>
        %max3A_278 = vector.broadcast %broadcast_in_dim3A_276 : vector<512x1xf32> to vector<512x512xf32>
        %max3A_279 = vector.broadcast %broadcast_in_dim3A_277 : vector<1x512xf32> to vector<512x512xf32>
        %max3A_280 = arith.maximumf %max3A_278, %max3A_279 : vector<512x512xf32>
        %sub3A_281 = arith.subf %min3A_275, %max3A_280 : vector<512x512xf32>
        %max3A_282 = arith.constant 0.000000e+00 : f32
        %max3A_283 = vector.broadcast %max3A_282 : f32 to vector<512x512xf32>
        %max3A_284 = arith.maximumf %sub3A_281, %max3A_283 : vector<512x512xf32>
        %broadcast_in_dim3A_285 = vector.shape_cast %get3A_256 : vector<512xf32> to vector<512x1xf32>
        %broadcast_in_dim3A_286 = vector.shape_cast %get3A_37 : vector<512xf32> to vector<1x512xf32>
        %min3A_287 = vector.broadcast %broadcast_in_dim3A_285 : vector<512x1xf32> to vector<512x512xf32>
        %min3A_288 = vector.broadcast %broadcast_in_dim3A_286 : vector<1x512xf32> to vector<512x512xf32>
        %min3A_289 = arith.minimumf %min3A_287, %min3A_288 : vector<512x512xf32>
        %broadcast_in_dim3A_290 = vector.shape_cast %get3A_246 : vector<512xf32> to vector<512x1xf32>
        %broadcast_in_dim3A_291 = vector.shape_cast %get3A_27 : vector<512xf32> to vector<1x512xf32>
        %max3A_292 = vector.broadcast %broadcast_in_dim3A_290 : vector<512x1xf32> to vector<512x512xf32>
        %max3A_293 = vector.broadcast %broadcast_in_dim3A_291 : vector<1x512xf32> to vector<512x512xf32>
        %max3A_294 = arith.maximumf %max3A_292, %max3A_293 : vector<512x512xf32>
        %sub3A_295 = arith.subf %min3A_289, %max3A_294 : vector<512x512xf32>
        %max3A_296 = arith.constant 0.000000e+00 : f32
        %max3A_297 = vector.broadcast %max3A_296 : f32 to vector<512x512xf32>
        %max3A_298 = arith.maximumf %sub3A_295, %max3A_297 : vector<512x512xf32>
        %mul3A_299 = arith.mulf %max3A_284, %max3A_298 : vector<512x512xf32>
        %broadcast_in_dim3A_300 = vector.shape_cast %mul3A_270 : vector<512xf32> to vector<512x1xf32>
        %broadcast_in_dim3A_301 = vector.shape_cast %mul3A_49 : vector<512xf32> to vector<1x512xf32>
        %add3A_302 = vector.broadcast %broadcast_in_dim3A_300 : vector<512x1xf32> to vector<512x512xf32>
        %add3A_303 = vector.broadcast %broadcast_in_dim3A_301 : vector<1x512xf32> to vector<512x512xf32>
        %add3A_304 = arith.addf %add3A_302, %add3A_303 : vector<512x512xf32>
        %sub3A_305 = arith.subf %add3A_304, %mul3A_299 : vector<512x512xf32>
        %add3A_306 = arith.constant 9.99999971E-10 : f32
        %add3A_307 = vector.broadcast %add3A_306 : f32 to vector<512x512xf32>
        %add3A_308 = arith.addf %sub3A_305, %add3A_307 : vector<512x512xf32>
        %div3A_309 = arith.divf %mul3A_299, %add3A_308 : vector<512x512xf32>
        %gt3A_310 = arith.constant 3.000000e-01 : f32
        %gt3A_311 = vector.broadcast %gt3A_310 : f32 to vector<512x512xf32>
        %gt3A_312 = arith.cmpf ogt, %div3A_309, %gt3A_311 : vector<512x512xf32>
        %broadcast_in_dim3A_313 = vector.shape_cast %get3A_261 : vector<512xf32> to vector<512x1xf32>
        %jit3A_314 = arith.constant 0.000000e+00 : f32
        %broadcast_in_dim3A_315 = vector.shape_cast %broadcast_in_dim3A_313 : vector<512x1xf32> to vector<512x1xf32>
        %broadcast_in_dim3A_316 = vector.broadcast %broadcast_in_dim3A_315 : vector<512x1xf32> to vector<512x512xf32>
        %broadcast_in_dim3A_317 = vector.broadcast %jit3A_314 : f32 to vector<512x512xf32>
        %select_n3A_318 = arith.select %gt3A_312, %broadcast_in_dim3A_316, %broadcast_in_dim3A_317 : vector<512x512xi1>, vector<512x512xf32>
        %reduce_max3A_319 = arith.constant dense<0xFF800000> : vector<512xf32>
        %reduce_max3A_320 = vector.multi_reduction <maximumf>, %select_n3A_318, %reduce_max3A_319 [0] : vector<512x512xf32> to vector<512xf32>
        %max3A_321 = arith.maximumf %while3A_234, %reduce_max3A_320 : vector<512xf32>
        scf.yield %max3A_321 : vector<512xf32>
      }
      %while3A_61 = arith.constant 1 : i32
      %while3A_62 = scf.for %while3A_233 = %while3A_58 to %while3A_54 step %while3A_61 iter_args(%while3A_234 = %while3A_60) -> (vector<512xf32>)  : i32 {
        %mul3A_235 = arith.constant 512 : i32
        %mul3A_236 = arith.muli %while3A_233, %mul3A_235 : i32
        %get3A_237 = arith.constant 0 : index
        %get3A_238 = arith.constant 0 : index
        %get3A_239 = arith.index_cast %mul3A_236 : i32 to index
        %get3A_240 = vector.load %arg2[%get3A_237, %get3A_238, %get3A_239] : memref<1x8x5120xf32, #tpu.memory_space<vmem>>, vector<1x1x512xf32>
        %get3A_241 = vector.shape_cast %get3A_240 : vector<1x1x512xf32> to vector<512xf32>
        %get3A_242 = arith.constant 0 : index
        %get3A_243 = arith.constant 1 : index
        %get3A_244 = arith.index_cast %mul3A_236 : i32 to index
        %get3A_245 = vector.load %arg2[%get3A_242, %get3A_243, %get3A_244] : memref<1x8x5120xf32, #tpu.memory_space<vmem>>, vector<1x1x512xf32>
        %get3A_246 = vector.shape_cast %get3A_245 : vector<1x1x512xf32> to vector<512xf32>
        %get3A_247 = arith.constant 0 : index
        %get3A_248 = arith.constant 2 : index
        %get3A_249 = arith.index_cast %mul3A_236 : i32 to index
        %get3A_250 = vector.load %arg2[%get3A_247, %get3A_248, %get3A_249] : memref<1x8x5120xf32, #tpu.memory_space<vmem>>, vector<1x1x512xf32>
        %get3A_251 = vector.shape_cast %get3A_250 : vector<1x1x512xf32> to vector<512xf32>
        %get3A_252 = arith.constant 0 : index
        %get3A_253 = arith.constant 3 : index
        %get3A_254 = arith.index_cast %mul3A_236 : i32 to index
        %get3A_255 = vector.load %arg2[%get3A_252, %get3A_253, %get3A_254] : memref<1x8x5120xf32, #tpu.memory_space<vmem>>, vector<1x1x512xf32>
        %get3A_256 = vector.shape_cast %get3A_255 : vector<1x1x512xf32> to vector<512xf32>
        %get3A_257 = arith.constant 0 : index
        %get3A_258 = arith.constant 0 : index
        %get3A_259 = arith.index_cast %mul3A_236 : i32 to index
        %get3A_260 = vector.load %arg3[%get3A_257, %get3A_258, %get3A_259] : memref<1x1x5120xf32, #tpu.memory_space<vmem>>, vector<1x1x512xf32>
        %get3A_261 = vector.shape_cast %get3A_260 : vector<1x1x512xf32> to vector<512xf32>
        %sub3A_262 = arith.subf %get3A_251, %get3A_241 : vector<512xf32>
        %max3A_263 = arith.constant 0.000000e+00 : f32
        %max3A_264 = vector.broadcast %max3A_263 : f32 to vector<512xf32>
        %max3A_265 = arith.maximumf %sub3A_262, %max3A_264 : vector<512xf32>
        %sub3A_266 = arith.subf %get3A_256, %get3A_246 : vector<512xf32>
        %max3A_267 = arith.constant 0.000000e+00 : f32
        %max3A_268 = vector.broadcast %max3A_267 : f32 to vector<512xf32>
        %max3A_269 = arith.maximumf %sub3A_266, %max3A_268 : vector<512xf32>
        %mul3A_270 = arith.mulf %max3A_265, %max3A_269 : vector<512xf32>
        %broadcast_in_dim3A_271 = vector.shape_cast %get3A_251 : vector<512xf32> to vector<512x1xf32>
        %broadcast_in_dim3A_272 = vector.shape_cast %get3A_32 : vector<512xf32> to vector<1x512xf32>
        %min3A_273 = vector.broadcast %broadcast_in_dim3A_271 : vector<512x1xf32> to vector<512x512xf32>
        %min3A_274 = vector.broadcast %broadcast_in_dim3A_272 : vector<1x512xf32> to vector<512x512xf32>
        %min3A_275 = arith.minimumf %min3A_273, %min3A_274 : vector<512x512xf32>
        %broadcast_in_dim3A_276 = vector.shape_cast %get3A_241 : vector<512xf32> to vector<512x1xf32>
        %broadcast_in_dim3A_277 = vector.shape_cast %get3A_22 : vector<512xf32> to vector<1x512xf32>
        %max3A_278 = vector.broadcast %broadcast_in_dim3A_276 : vector<512x1xf32> to vector<512x512xf32>
        %max3A_279 = vector.broadcast %broadcast_in_dim3A_277 : vector<1x512xf32> to vector<512x512xf32>
        %max3A_280 = arith.maximumf %max3A_278, %max3A_279 : vector<512x512xf32>
        %sub3A_281 = arith.subf %min3A_275, %max3A_280 : vector<512x512xf32>
        %max3A_282 = arith.constant 0.000000e+00 : f32
        %max3A_283 = vector.broadcast %max3A_282 : f32 to vector<512x512xf32>
        %max3A_284 = arith.maximumf %sub3A_281, %max3A_283 : vector<512x512xf32>
        %broadcast_in_dim3A_285 = vector.shape_cast %get3A_256 : vector<512xf32> to vector<512x1xf32>
        %broadcast_in_dim3A_286 = vector.shape_cast %get3A_37 : vector<512xf32> to vector<1x512xf32>
        %min3A_287 = vector.broadcast %broadcast_in_dim3A_285 : vector<512x1xf32> to vector<512x512xf32>
        %min3A_288 = vector.broadcast %broadcast_in_dim3A_286 : vector<1x512xf32> to vector<512x512xf32>
        %min3A_289 = arith.minimumf %min3A_287, %min3A_288 : vector<512x512xf32>
        %broadcast_in_dim3A_290 = vector.shape_cast %get3A_246 : vector<512xf32> to vector<512x1xf32>
        %broadcast_in_dim3A_291 = vector.shape_cast %get3A_27 : vector<512xf32> to vector<1x512xf32>
        %max3A_292 = vector.broadcast %broadcast_in_dim3A_290 : vector<512x1xf32> to vector<512x512xf32>
        %max3A_293 = vector.broadcast %broadcast_in_dim3A_291 : vector<1x512xf32> to vector<512x512xf32>
        %max3A_294 = arith.maximumf %max3A_292, %max3A_293 : vector<512x512xf32>
        %sub3A_295 = arith.subf %min3A_289, %max3A_294 : vector<512x512xf32>
        %max3A_296 = arith.constant 0.000000e+00 : f32
        %max3A_297 = vector.broadcast %max3A_296 : f32 to vector<512x512xf32>
        %max3A_298 = arith.maximumf %sub3A_295, %max3A_297 : vector<512x512xf32>
        %mul3A_299 = arith.mulf %max3A_284, %max3A_298 : vector<512x512xf32>
        %broadcast_in_dim3A_300 = vector.shape_cast %mul3A_270 : vector<512xf32> to vector<512x1xf32>
        %broadcast_in_dim3A_301 = vector.shape_cast %mul3A_49 : vector<512xf32> to vector<1x512xf32>
        %add3A_302 = vector.broadcast %broadcast_in_dim3A_300 : vector<512x1xf32> to vector<512x512xf32>
        %add3A_303 = vector.broadcast %broadcast_in_dim3A_301 : vector<1x512xf32> to vector<512x512xf32>
        %add3A_304 = arith.addf %add3A_302, %add3A_303 : vector<512x512xf32>
        %sub3A_305 = arith.subf %add3A_304, %mul3A_299 : vector<512x512xf32>
        %add3A_306 = arith.constant 9.99999971E-10 : f32
        %add3A_307 = vector.broadcast %add3A_306 : f32 to vector<512x512xf32>
        %add3A_308 = arith.addf %sub3A_305, %add3A_307 : vector<512x512xf32>
        %div3A_309 = arith.divf %mul3A_299, %add3A_308 : vector<512x512xf32>
        %gt3A_310 = arith.constant 3.000000e-01 : f32
        %gt3A_311 = vector.broadcast %gt3A_310 : f32 to vector<512x512xf32>
        %gt3A_312 = arith.cmpf ogt, %div3A_309, %gt3A_311 : vector<512x512xf32>
        %broadcast_in_dim3A_313 = vector.shape_cast %get3A_261 : vector<512xf32> to vector<512x1xf32>
        %jit3A_314 = arith.constant 0.000000e+00 : f32
        %broadcast_in_dim3A_315 = vector.shape_cast %broadcast_in_dim3A_313 : vector<512x1xf32> to vector<512x1xf32>
        %broadcast_in_dim3A_316 = vector.broadcast %broadcast_in_dim3A_315 : vector<512x1xf32> to vector<512x512xf32>
        %broadcast_in_dim3A_317 = vector.broadcast %jit3A_314 : f32 to vector<512x512xf32>
        %select_n3A_318 = arith.select %gt3A_312, %broadcast_in_dim3A_316, %broadcast_in_dim3A_317 : vector<512x512xi1>, vector<512x512xf32>
        %reduce_max3A_319 = arith.constant dense<0xFF800000> : vector<512xf32>
        %reduce_max3A_320 = vector.multi_reduction <maximumf>, %select_n3A_318, %reduce_max3A_319 [0] : vector<512x512xf32> to vector<512xf32>
        %max3A_321 = arith.maximumf %while3A_234, %reduce_max3A_320 : vector<512xf32>
        scf.yield %max3A_321 : vector<512xf32>
      }
      %broadcast_in_dim3A_63 = vector.shape_cast %get3A_32 : vector<512xf32> to vector<512x1xf32>
      %broadcast_in_dim3A_64 = vector.shape_cast %get3A_32 : vector<512xf32> to vector<1x512xf32>
      %min3A = vector.broadcast %broadcast_in_dim3A_63 : vector<512x1xf32> to vector<512x512xf32>
      %min3A_65 = vector.broadcast %broadcast_in_dim3A_64 : vector<1x512xf32> to vector<512x512xf32>
      %min3A_66 = arith.minimumf %min3A, %min3A_65 : vector<512x512xf32>
      %broadcast_in_dim3A_67 = vector.shape_cast %get3A_22 : vector<512xf32> to vector<512x1xf32>
      %broadcast_in_dim3A_68 = vector.shape_cast %get3A_22 : vector<512xf32> to vector<1x512xf32>
      %max3A_69 = vector.broadcast %broadcast_in_dim3A_67 : vector<512x1xf32> to vector<512x512xf32>
      %max3A_70 = vector.broadcast %broadcast_in_dim3A_68 : vector<1x512xf32> to vector<512x512xf32>
      %max3A_71 = arith.maximumf %max3A_69, %max3A_70 : vector<512x512xf32>
      %sub3A_72 = arith.subf %min3A_66, %max3A_71 : vector<512x512xf32>
      %max3A_73 = arith.constant 0.000000e+00 : f32
      %max3A_74 = vector.broadcast %max3A_73 : f32 to vector<512x512xf32>
      %max3A_75 = arith.maximumf %sub3A_72, %max3A_74 : vector<512x512xf32>
      %broadcast_in_dim3A_76 = vector.shape_cast %get3A_37 : vector<512xf32> to vector<512x1xf32>
      %broadcast_in_dim3A_77 = vector.shape_cast %get3A_37 : vector<512xf32> to vector<1x512xf32>
      %min3A_78 = vector.broadcast %broadcast_in_dim3A_76 : vector<512x1xf32> to vector<512x512xf32>
      %min3A_79 = vector.broadcast %broadcast_in_dim3A_77 : vector<1x512xf32> to vector<512x512xf32>
      %min3A_80 = arith.minimumf %min3A_78, %min3A_79 : vector<512x512xf32>
      %broadcast_in_dim3A_81 = vector.shape_cast %get3A_27 : vector<512xf32> to vector<512x1xf32>
      %broadcast_in_dim3A_82 = vector.shape_cast %get3A_27 : vector<512xf32> to vector<1x512xf32>
      %max3A_83 = vector.broadcast %broadcast_in_dim3A_81 : vector<512x1xf32> to vector<512x512xf32>
      %max3A_84 = vector.broadcast %broadcast_in_dim3A_82 : vector<1x512xf32> to vector<512x512xf32>
      %max3A_85 = arith.maximumf %max3A_83, %max3A_84 : vector<512x512xf32>
      %sub3A_86 = arith.subf %min3A_80, %max3A_85 : vector<512x512xf32>
      %max3A_87 = arith.constant 0.000000e+00 : f32
      %max3A_88 = vector.broadcast %max3A_87 : f32 to vector<512x512xf32>
      %max3A_89 = arith.maximumf %sub3A_86, %max3A_88 : vector<512x512xf32>
      %mul3A_90 = arith.mulf %max3A_75, %max3A_89 : vector<512x512xf32>
      %broadcast_in_dim3A_91 = vector.shape_cast %mul3A_49 : vector<512xf32> to vector<512x1xf32>
      %broadcast_in_dim3A_92 = vector.shape_cast %mul3A_49 : vector<512xf32> to vector<1x512xf32>
      %add3A = vector.broadcast %broadcast_in_dim3A_91 : vector<512x1xf32> to vector<512x512xf32>
      %add3A_93 = vector.broadcast %broadcast_in_dim3A_92 : vector<1x512xf32> to vector<512x512xf32>
      %add3A_94 = arith.addf %add3A, %add3A_93 : vector<512x512xf32>
      %sub3A_95 = arith.subf %add3A_94, %mul3A_90 : vector<512x512xf32>
      %add3A_96 = arith.constant 9.99999971E-10 : f32
      %add3A_97 = vector.broadcast %add3A_96 : f32 to vector<512x512xf32>
      %add3A_98 = arith.addf %sub3A_95, %add3A_97 : vector<512x512xf32>
      %div3A = arith.divf %mul3A_90, %add3A_98 : vector<512x512xf32>
      %iota3A = tpu.iota {dimensions = array<i32: 0>} : vector<512x512xi32>
      %iota3A_99 = tpu.iota {dimensions = array<i32: 1>} : vector<512x512xi32>
      %gt3A = arith.constant 3.000000e-01 : f32
      %gt3A_100 = vector.broadcast %gt3A : f32 to vector<512x512xf32>
      %gt3A_101 = arith.cmpf ogt, %div3A, %gt3A_100 : vector<512x512xf32>
      %lt3A = arith.cmpi slt, %iota3A, %iota3A_99 : vector<512x512xi32>
      %and3A = arith.andi %gt3A_101, %lt3A : vector<512x512xi1>
      %jit3A = arith.constant 1.000000e+00 : f32
      %jit3A_102 = arith.constant 0.000000e+00 : f32
      %broadcast_in_dim3A_103 = vector.broadcast %jit3A : f32 to vector<512x512xf32>
      %broadcast_in_dim3A_104 = vector.broadcast %jit3A_102 : f32 to vector<512x512xf32>
      %select_n3A = arith.select %and3A, %broadcast_in_dim3A_103, %broadcast_in_dim3A_104 : vector<512x512xi1>, vector<512x512xf32>
      %sub3A_105 = arith.constant 1.000000e+00 : f32
      %sub3A_106 = vector.broadcast %sub3A_105 : f32 to vector<512xf32>
      %sub3A_107 = arith.subf %sub3A_106, %get3A_42 : vector<512xf32>
      %max3A_108 = arith.maximumf %sub3A_107, %while3A_62 : vector<512xf32>
      %broadcast_in_dim3A_109 = arith.constant 0.000000e+00 : f32
      %broadcast_in_dim3A_110 = vector.broadcast %broadcast_in_dim3A_109 : f32 to vector<512xf32>
      %sub3A_111 = arith.constant 1.000000e+00 : f32
      %sub3A_112 = vector.broadcast %sub3A_111 : f32 to vector<512xf32>
      %sub3A_113 = arith.subf %sub3A_112, %max3A_108 : vector<512xf32>
      %mul3A_114 = arith.mulf %get3A_42, %sub3A_113 : vector<512xf32>
      %sub3A_115 = arith.constant 1.000000e+00 : f32
      %sub3A_116 = vector.broadcast %sub3A_115 : f32 to vector<512xf32>
      %sub3A_117 = arith.subf %sub3A_116, %max3A_108 : vector<512xf32>
      %broadcast_in_dim3A_118 = vector.shape_cast %sub3A_117 : vector<512xf32> to vector<512x1xf32>
      %mul3A_119 = vector.broadcast %broadcast_in_dim3A_118 : vector<512x1xf32> to vector<512x512xf32>
      %mul3A_120 = arith.mulf %select_n3A, %mul3A_119 : vector<512x512xf32>
      %reduce_max3A = arith.constant dense<0xFF800000> : vector<512xf32>
      %reduce_max3A_121 = vector.multi_reduction <maximumf>, %mul3A_120, %reduce_max3A [0] : vector<512x512xf32> to vector<512xf32>
      %sub3A_122 = arith.constant 1.000000e+00 : f32
      %sub3A_123 = vector.broadcast %sub3A_122 : f32 to vector<512xf32>
      %sub3A_124 = arith.subf %sub3A_123, %reduce_max3A_121 : vector<512xf32>
      %mul3A_125 = arith.mulf %mul3A_114, %sub3A_124 : vector<512xf32>
      %max3A_126 = arith.maximumf %broadcast_in_dim3A_110, %mul3A_125 : vector<512xf32>
      %broadcast_in_dim3A_127 = vector.shape_cast %max3A_126 : vector<512xf32> to vector<512x1xf32>
      %mul3A_128 = vector.broadcast %broadcast_in_dim3A_127 : vector<512x1xf32> to vector<512x512xf32>
      %mul3A_129 = arith.mulf %select_n3A, %mul3A_128 : vector<512x512xf32>
      %reduce_max3A_130 = arith.constant dense<0xFF800000> : vector<512xf32>
      %reduce_max3A_131 = vector.multi_reduction <maximumf>, %mul3A_129, %reduce_max3A_130 [0] : vector<512x512xf32> to vector<512xf32>
      %mul3A_132 = arith.mulf %mul3A_114, %reduce_max3A_131 : vector<512xf32>
      %max3A_133 = arith.maximumf %max3A_108, %mul3A_132 : vector<512xf32>
      %sub3A_134 = arith.constant 1.000000e+00 : f32
      %sub3A_135 = vector.broadcast %sub3A_134 : f32 to vector<512xf32>
      %sub3A_136 = arith.subf %sub3A_135, %max3A_126 : vector<512xf32>
      %mul3A_137 = arith.mulf %mul3A_114, %sub3A_136 : vector<512xf32>
      %sub3A_138 = arith.constant 1.000000e+00 : f32
      %sub3A_139 = vector.broadcast %sub3A_138 : f32 to vector<512xf32>
      %sub3A_140 = arith.subf %sub3A_139, %max3A_133 : vector<512xf32>
      %mul3A_141 = arith.mulf %mul3A_137, %sub3A_140 : vector<512xf32>
      %sub3A_142 = arith.constant 1.000000e+00 : f32
      %sub3A_143 = vector.broadcast %sub3A_142 : f32 to vector<512xf32>
      %sub3A_144 = arith.subf %sub3A_143, %max3A_133 : vector<512xf32>
      %broadcast_in_dim3A_145 = vector.shape_cast %sub3A_144 : vector<512xf32> to vector<512x1xf32>
      %mul3A_146 = vector.broadcast %broadcast_in_dim3A_145 : vector<512x1xf32> to vector<512x512xf32>
      %mul3A_147 = arith.mulf %select_n3A, %mul3A_146 : vector<512x512xf32>
      %reduce_max3A_148 = arith.constant dense<0xFF800000> : vector<512xf32>
      %reduce_max3A_149 = vector.multi_reduction <maximumf>, %mul3A_147, %reduce_max3A_148 [0] : vector<512x512xf32> to vector<512xf32>
      %sub3A_150 = arith.constant 1.000000e+00 : f32
      %sub3A_151 = vector.broadcast %sub3A_150 : f32 to vector<512xf32>
      %sub3A_152 = arith.subf %sub3A_151, %reduce_max3A_149 : vector<512xf32>
      %mul3A_153 = arith.mulf %mul3A_141, %sub3A_152 : vector<512xf32>
      %max3A_154 = arith.maximumf %max3A_126, %mul3A_153 : vector<512xf32>
      %broadcast_in_dim3A_155 = vector.shape_cast %max3A_154 : vector<512xf32> to vector<512x1xf32>
      %mul3A_156 = vector.broadcast %broadcast_in_dim3A_155 : vector<512x1xf32> to vector<512x512xf32>
      %mul3A_157 = arith.mulf %select_n3A, %mul3A_156 : vector<512x512xf32>
      %reduce_max3A_158 = arith.constant dense<0xFF800000> : vector<512xf32>
      %reduce_max3A_159 = vector.multi_reduction <maximumf>, %mul3A_157, %reduce_max3A_158 [0] : vector<512x512xf32> to vector<512xf32>
      %mul3A_160 = arith.mulf %mul3A_141, %reduce_max3A_159 : vector<512xf32>
      %max3A_161 = arith.maximumf %max3A_133, %mul3A_160 : vector<512xf32>
      %sub3A_162 = arith.constant 1.000000e+00 : f32
      %sub3A_163 = vector.broadcast %sub3A_162 : f32 to vector<512xf32>
      %sub3A_164 = arith.subf %sub3A_163, %max3A_154 : vector<512xf32>
      %mul3A_165 = arith.mulf %mul3A_141, %sub3A_164 : vector<512xf32>
      %sub3A_166 = arith.constant 1.000000e+00 : f32
      %sub3A_167 = vector.broadcast %sub3A_166 : f32 to vector<512xf32>
      %sub3A_168 = arith.subf %sub3A_167, %max3A_161 : vector<512xf32>
      %mul3A_169 = arith.mulf %mul3A_165, %sub3A_168 : vector<512xf32>
      %sub3A_170 = arith.constant 1.000000e+00 : f32
      %sub3A_171 = vector.broadcast %sub3A_170 : f32 to vector<512xf32>
      %sub3A_172 = arith.subf %sub3A_171, %max3A_161 : vector<512xf32>
      %broadcast_in_dim3A_173 = vector.shape_cast %sub3A_172 : vector<512xf32> to vector<512x1xf32>
      %mul3A_174 = vector.broadcast %broadcast_in_dim3A_173 : vector<512x1xf32> to vector<512x512xf32>
      %mul3A_175 = arith.mulf %select_n3A, %mul3A_174 : vector<512x512xf32>
      %reduce_max3A_176 = arith.constant dense<0xFF800000> : vector<512xf32>
      %reduce_max3A_177 = vector.multi_reduction <maximumf>, %mul3A_175, %reduce_max3A_176 [0] : vector<512x512xf32> to vector<512xf32>
      %sub3A_178 = arith.constant 1.000000e+00 : f32
      %sub3A_179 = vector.broadcast %sub3A_178 : f32 to vector<512xf32>
      %sub3A_180 = arith.subf %sub3A_179, %reduce_max3A_177 : vector<512xf32>
      %mul3A_181 = arith.mulf %mul3A_169, %sub3A_180 : vector<512xf32>
      %max3A_182 = arith.maximumf %max3A_154, %mul3A_181 : vector<512xf32>
      %broadcast_in_dim3A_183 = vector.shape_cast %max3A_182 : vector<512xf32> to vector<512x1xf32>
      %mul3A_184 = vector.broadcast %broadcast_in_dim3A_183 : vector<512x1xf32> to vector<512x512xf32>
      %mul3A_185 = arith.mulf %select_n3A, %mul3A_184 : vector<512x512xf32>
      %reduce_max3A_186 = arith.constant dense<0xFF800000> : vector<512xf32>
      %reduce_max3A_187 = vector.multi_reduction <maximumf>, %mul3A_185, %reduce_max3A_186 [0] : vector<512x512xf32> to vector<512xf32>
      %mul3A_188 = arith.mulf %mul3A_169, %reduce_max3A_187 : vector<512xf32>
      %max3A_189 = arith.maximumf %max3A_161, %mul3A_188 : vector<512xf32>
      %sub3A_190 = arith.constant 1.000000e+00 : f32
      %sub3A_191 = vector.broadcast %sub3A_190 : f32 to vector<512xf32>
      %sub3A_192 = arith.subf %sub3A_191, %max3A_182 : vector<512xf32>
      %mul3A_193 = arith.mulf %mul3A_169, %sub3A_192 : vector<512xf32>
      %sub3A_194 = arith.constant 1.000000e+00 : f32
      %sub3A_195 = vector.broadcast %sub3A_194 : f32 to vector<512xf32>
      %sub3A_196 = arith.subf %sub3A_195, %max3A_189 : vector<512xf32>
      %mul3A_197 = arith.mulf %mul3A_193, %sub3A_196 : vector<512xf32>
      %sub3A_198 = arith.constant 1.000000e+00 : f32
      %sub3A_199 = vector.broadcast %sub3A_198 : f32 to vector<512xf32>
      %sub3A_200 = arith.subf %sub3A_199, %max3A_189 : vector<512xf32>
      %broadcast_in_dim3A_201 = vector.shape_cast %sub3A_200 : vector<512xf32> to vector<512x1xf32>
      %mul3A_202 = vector.broadcast %broadcast_in_dim3A_201 : vector<512x1xf32> to vector<512x512xf32>
      %mul3A_203 = arith.mulf %select_n3A, %mul3A_202 : vector<512x512xf32>
      %reduce_max3A_204 = arith.constant dense<0xFF800000> : vector<512xf32>
      %reduce_max3A_205 = vector.multi_reduction <maximumf>, %mul3A_203, %reduce_max3A_204 [0] : vector<512x512xf32> to vector<512xf32>
      %sub3A_206 = arith.constant 1.000000e+00 : f32
      %sub3A_207 = vector.broadcast %sub3A_206 : f32 to vector<512xf32>
      %sub3A_208 = arith.subf %sub3A_207, %reduce_max3A_205 : vector<512xf32>
      %mul3A_209 = arith.mulf %mul3A_197, %sub3A_208 : vector<512xf32>
      %max3A_210 = arith.maximumf %max3A_182, %mul3A_209 : vector<512xf32>
      %broadcast_in_dim3A_211 = vector.shape_cast %max3A_210 : vector<512xf32> to vector<512x1xf32>
      %mul3A_212 = vector.broadcast %broadcast_in_dim3A_211 : vector<512x1xf32> to vector<512x512xf32>
      %mul3A_213 = arith.mulf %select_n3A, %mul3A_212 : vector<512x512xf32>
      %reduce_max3A_214 = arith.constant dense<0xFF800000> : vector<512xf32>
      %reduce_max3A_215 = vector.multi_reduction <maximumf>, %mul3A_213, %reduce_max3A_214 [0] : vector<512x512xf32> to vector<512xf32>
      %mul3A_216 = arith.mulf %mul3A_197, %reduce_max3A_215 : vector<512xf32>
      %max3A_217 = arith.maximumf %max3A_189, %mul3A_216 : vector<512xf32>
      %sub3A_218 = arith.constant 1.000000e+00 : f32
      %sub3A_219 = vector.broadcast %sub3A_218 : f32 to vector<512xf32>
      %sub3A_220 = arith.subf %sub3A_219, %max3A_210 : vector<512xf32>
      %mul3A_221 = arith.mulf %mul3A_197, %sub3A_220 : vector<512xf32>
      %sub3A_222 = arith.constant 1.000000e+00 : f32
      %sub3A_223 = vector.broadcast %sub3A_222 : f32 to vector<512xf32>
      %sub3A_224 = arith.subf %sub3A_223, %max3A_217 : vector<512xf32>
      %mul3A_225 = arith.mulf %mul3A_221, %sub3A_224 : vector<512xf32>
      %while3A_226:3 = scf.while (%while3A_233 = %max3A_210, %while3A_234 = %max3A_217, %while3A_235 = %mul3A_225) : (vector<512xf32>, vector<512xf32>, vector<512xf32>) -> (vector<512xf32>, vector<512xf32>, vector<512xf32>) {
        %reduce_max3A_236 = vector.shape_cast %while3A_235 : vector<512xf32> to vector<1x512xf32>
        %reduce_max3A_237 = arith.constant dense<0xFF800000> : vector<1xf32>
        %reduce_max3A_238 = vector.multi_reduction <maximumf>, %reduce_max3A_236, %reduce_max3A_237 [1] : vector<1x512xf32> to vector<1xf32>
        %reduce_max3A_239 = vector.shape_cast %reduce_max3A_238 : vector<1xf32> to vector<1x1xf32>
        %reduce_max3A_240 = vector.extract %reduce_max3A_239[0, 0] : f32 from vector<1x1xf32>
        %gt3A_241 = arith.constant 0.000000e+00 : f32
        %gt3A_242 = arith.cmpf ogt, %reduce_max3A_240, %gt3A_241 : f32
        scf.condition(%gt3A_242) %while3A_233, %while3A_234, %while3A_235 : vector<512xf32>, vector<512xf32>, vector<512xf32>
      } do {
      ^bb0(%while3A_233: vector<512xf32>, %while3A_234: vector<512xf32>, %while3A_235: vector<512xf32>):
        %sub3A_236 = arith.constant 1.000000e+00 : f32
        %sub3A_237 = vector.broadcast %sub3A_236 : f32 to vector<512xf32>
        %sub3A_238 = arith.subf %sub3A_237, %while3A_234 : vector<512xf32>
        %broadcast_in_dim3A_239 = vector.shape_cast %sub3A_238 : vector<512xf32> to vector<512x1xf32>
        %mul3A_240 = vector.broadcast %broadcast_in_dim3A_239 : vector<512x1xf32> to vector<512x512xf32>
        %mul3A_241 = arith.mulf %select_n3A, %mul3A_240 : vector<512x512xf32>
        %reduce_max3A_242 = arith.constant dense<0xFF800000> : vector<512xf32>
        %reduce_max3A_243 = vector.multi_reduction <maximumf>, %mul3A_241, %reduce_max3A_242 [0] : vector<512x512xf32> to vector<512xf32>
        %sub3A_244 = arith.constant 1.000000e+00 : f32
        %sub3A_245 = vector.broadcast %sub3A_244 : f32 to vector<512xf32>
        %sub3A_246 = arith.subf %sub3A_245, %reduce_max3A_243 : vector<512xf32>
        %mul3A_247 = arith.mulf %while3A_235, %sub3A_246 : vector<512xf32>
        %max3A_248 = arith.maximumf %while3A_233, %mul3A_247 : vector<512xf32>
        %broadcast_in_dim3A_249 = vector.shape_cast %max3A_248 : vector<512xf32> to vector<512x1xf32>
        %mul3A_250 = vector.broadcast %broadcast_in_dim3A_249 : vector<512x1xf32> to vector<512x512xf32>
        %mul3A_251 = arith.mulf %select_n3A, %mul3A_250 : vector<512x512xf32>
        %reduce_max3A_252 = arith.constant dense<0xFF800000> : vector<512xf32>
        %reduce_max3A_253 = vector.multi_reduction <maximumf>, %mul3A_251, %reduce_max3A_252 [0] : vector<512x512xf32> to vector<512xf32>
        %mul3A_254 = arith.mulf %while3A_235, %reduce_max3A_253 : vector<512xf32>
        %max3A_255 = arith.maximumf %while3A_234, %mul3A_254 : vector<512xf32>
        %sub3A_256 = arith.constant 1.000000e+00 : f32
        %sub3A_257 = vector.broadcast %sub3A_256 : f32 to vector<512xf32>
        %sub3A_258 = arith.subf %sub3A_257, %max3A_248 : vector<512xf32>
        %mul3A_259 = arith.mulf %while3A_235, %sub3A_258 : vector<512xf32>
        %sub3A_260 = arith.constant 1.000000e+00 : f32
        %sub3A_261 = vector.broadcast %sub3A_260 : f32 to vector<512xf32>
        %sub3A_262 = arith.subf %sub3A_261, %max3A_255 : vector<512xf32>
        %mul3A_263 = arith.mulf %mul3A_259, %sub3A_262 : vector<512xf32>
        %sub3A_264 = arith.constant 1.000000e+00 : f32
        %sub3A_265 = vector.broadcast %sub3A_264 : f32 to vector<512xf32>
        %sub3A_266 = arith.subf %sub3A_265, %max3A_255 : vector<512xf32>
        %broadcast_in_dim3A_267 = vector.shape_cast %sub3A_266 : vector<512xf32> to vector<512x1xf32>
        %mul3A_268 = vector.broadcast %broadcast_in_dim3A_267 : vector<512x1xf32> to vector<512x512xf32>
        %mul3A_269 = arith.mulf %select_n3A, %mul3A_268 : vector<512x512xf32>
        %reduce_max3A_270 = arith.constant dense<0xFF800000> : vector<512xf32>
        %reduce_max3A_271 = vector.multi_reduction <maximumf>, %mul3A_269, %reduce_max3A_270 [0] : vector<512x512xf32> to vector<512xf32>
        %sub3A_272 = arith.constant 1.000000e+00 : f32
        %sub3A_273 = vector.broadcast %sub3A_272 : f32 to vector<512xf32>
        %sub3A_274 = arith.subf %sub3A_273, %reduce_max3A_271 : vector<512xf32>
        %mul3A_275 = arith.mulf %mul3A_263, %sub3A_274 : vector<512xf32>
        %max3A_276 = arith.maximumf %max3A_248, %mul3A_275 : vector<512xf32>
        %broadcast_in_dim3A_277 = vector.shape_cast %max3A_276 : vector<512xf32> to vector<512x1xf32>
        %mul3A_278 = vector.broadcast %broadcast_in_dim3A_277 : vector<512x1xf32> to vector<512x512xf32>
        %mul3A_279 = arith.mulf %select_n3A, %mul3A_278 : vector<512x512xf32>
        %reduce_max3A_280 = arith.constant dense<0xFF800000> : vector<512xf32>
        %reduce_max3A_281 = vector.multi_reduction <maximumf>, %mul3A_279, %reduce_max3A_280 [0] : vector<512x512xf32> to vector<512xf32>
        %mul3A_282 = arith.mulf %mul3A_263, %reduce_max3A_281 : vector<512xf32>
        %max3A_283 = arith.maximumf %max3A_255, %mul3A_282 : vector<512xf32>
        %sub3A_284 = arith.constant 1.000000e+00 : f32
        %sub3A_285 = vector.broadcast %sub3A_284 : f32 to vector<512xf32>
        %sub3A_286 = arith.subf %sub3A_285, %max3A_276 : vector<512xf32>
        %mul3A_287 = arith.mulf %mul3A_263, %sub3A_286 : vector<512xf32>
        %sub3A_288 = arith.constant 1.000000e+00 : f32
        %sub3A_289 = vector.broadcast %sub3A_288 : f32 to vector<512xf32>
        %sub3A_290 = arith.subf %sub3A_289, %max3A_283 : vector<512xf32>
        %mul3A_291 = arith.mulf %mul3A_287, %sub3A_290 : vector<512xf32>
        %sub3A_292 = arith.constant 1.000000e+00 : f32
        %sub3A_293 = vector.broadcast %sub3A_292 : f32 to vector<512xf32>
        %sub3A_294 = arith.subf %sub3A_293, %max3A_283 : vector<512xf32>
        %broadcast_in_dim3A_295 = vector.shape_cast %sub3A_294 : vector<512xf32> to vector<512x1xf32>
        %mul3A_296 = vector.broadcast %broadcast_in_dim3A_295 : vector<512x1xf32> to vector<512x512xf32>
        %mul3A_297 = arith.mulf %select_n3A, %mul3A_296 : vector<512x512xf32>
        %reduce_max3A_298 = arith.constant dense<0xFF800000> : vector<512xf32>
        %reduce_max3A_299 = vector.multi_reduction <maximumf>, %mul3A_297, %reduce_max3A_298 [0] : vector<512x512xf32> to vector<512xf32>
        %sub3A_300 = arith.constant 1.000000e+00 : f32
        %sub3A_301 = vector.broadcast %sub3A_300 : f32 to vector<512xf32>
        %sub3A_302 = arith.subf %sub3A_301, %reduce_max3A_299 : vector<512xf32>
        %mul3A_303 = arith.mulf %mul3A_291, %sub3A_302 : vector<512xf32>
        %max3A_304 = arith.maximumf %max3A_276, %mul3A_303 : vector<512xf32>
        %broadcast_in_dim3A_305 = vector.shape_cast %max3A_304 : vector<512xf32> to vector<512x1xf32>
        %mul3A_306 = vector.broadcast %broadcast_in_dim3A_305 : vector<512x1xf32> to vector<512x512xf32>
        %mul3A_307 = arith.mulf %select_n3A, %mul3A_306 : vector<512x512xf32>
        %reduce_max3A_308 = arith.constant dense<0xFF800000> : vector<512xf32>
        %reduce_max3A_309 = vector.multi_reduction <maximumf>, %mul3A_307, %reduce_max3A_308 [0] : vector<512x512xf32> to vector<512xf32>
        %mul3A_310 = arith.mulf %mul3A_291, %reduce_max3A_309 : vector<512xf32>
        %max3A_311 = arith.maximumf %max3A_283, %mul3A_310 : vector<512xf32>
        %sub3A_312 = arith.constant 1.000000e+00 : f32
        %sub3A_313 = vector.broadcast %sub3A_312 : f32 to vector<512xf32>
        %sub3A_314 = arith.subf %sub3A_313, %max3A_304 : vector<512xf32>
        %mul3A_315 = arith.mulf %mul3A_291, %sub3A_314 : vector<512xf32>
        %sub3A_316 = arith.constant 1.000000e+00 : f32
        %sub3A_317 = vector.broadcast %sub3A_316 : f32 to vector<512xf32>
        %sub3A_318 = arith.subf %sub3A_317, %max3A_311 : vector<512xf32>
        %mul3A_319 = arith.mulf %mul3A_315, %sub3A_318 : vector<512xf32>
        %sub3A_320 = arith.constant 1.000000e+00 : f32
        %sub3A_321 = vector.broadcast %sub3A_320 : f32 to vector<512xf32>
        %sub3A_322 = arith.subf %sub3A_321, %max3A_311 : vector<512xf32>
        %broadcast_in_dim3A_323 = vector.shape_cast %sub3A_322 : vector<512xf32> to vector<512x1xf32>
        %mul3A_324 = vector.broadcast %broadcast_in_dim3A_323 : vector<512x1xf32> to vector<512x512xf32>
        %mul3A_325 = arith.mulf %select_n3A, %mul3A_324 : vector<512x512xf32>
        %reduce_max3A_326 = arith.constant dense<0xFF800000> : vector<512xf32>
        %reduce_max3A_327 = vector.multi_reduction <maximumf>, %mul3A_325, %reduce_max3A_326 [0] : vector<512x512xf32> to vector<512xf32>
        %sub3A_328 = arith.constant 1.000000e+00 : f32
        %sub3A_329 = vector.broadcast %sub3A_328 : f32 to vector<512xf32>
        %sub3A_330 = arith.subf %sub3A_329, %reduce_max3A_327 : vector<512xf32>
        %mul3A_331 = arith.mulf %mul3A_319, %sub3A_330 : vector<512xf32>
        %max3A_332 = arith.maximumf %max3A_304, %mul3A_331 : vector<512xf32>
        %broadcast_in_dim3A_333 = vector.shape_cast %max3A_332 : vector<512xf32> to vector<512x1xf32>
        %mul3A_334 = vector.broadcast %broadcast_in_dim3A_333 : vector<512x1xf32> to vector<512x512xf32>
        %mul3A_335 = arith.mulf %select_n3A, %mul3A_334 : vector<512x512xf32>
        %reduce_max3A_336 = arith.constant dense<0xFF800000> : vector<512xf32>
        %reduce_max3A_337 = vector.multi_reduction <maximumf>, %mul3A_335, %reduce_max3A_336 [0] : vector<512x512xf32> to vector<512xf32>
        %mul3A_338 = arith.mulf %mul3A_319, %reduce_max3A_337 : vector<512xf32>
        %max3A_339 = arith.maximumf %max3A_311, %mul3A_338 : vector<512xf32>
        %sub3A_340 = arith.constant 1.000000e+00 : f32
        %sub3A_341 = vector.broadcast %sub3A_340 : f32 to vector<512xf32>
        %sub3A_342 = arith.subf %sub3A_341, %max3A_332 : vector<512xf32>
        %mul3A_343 = arith.mulf %mul3A_319, %sub3A_342 : vector<512xf32>
        %sub3A_344 = arith.constant 1.000000e+00 : f32
        %sub3A_345 = vector.broadcast %sub3A_344 : f32 to vector<512xf32>
        %sub3A_346 = arith.subf %sub3A_345, %max3A_339 : vector<512xf32>
        %mul3A_347 = arith.mulf %mul3A_343, %sub3A_346 : vector<512xf32>
        scf.yield %max3A_332, %max3A_339, %mul3A_347 : vector<512xf32>, vector<512xf32>, vector<512xf32>
      }
      %swap3A_227 = arith.constant 0 : index
      %swap3A_228 = arith.constant 0 : index
      %swap3A_229 = arith.index_cast %mul3A_17 : i32 to index
      %swap3A_230 = vector.load %arg3[%swap3A_227, %swap3A_228, %swap3A_229] : memref<1x1x5120xf32, #tpu.memory_space<vmem>>, vector<1x1x512xf32>
      %swap3A_231 = vector.shape_cast %swap3A_230 : vector<1x1x512xf32> to vector<512xf32>
      %swap3A_232 = vector.shape_cast %while3A_226#0 : vector<512xf32> to vector<1x1x512xf32>
      tpu.vector_store %arg3[%swap3A_227, %swap3A_228, %swap3A_229], %swap3A_232 {strides = array<i32>} : memref<1x1x5120xf32, #tpu.memory_space<vmem>>, vector<1x1x512xf32>,
    }
    %while3A_15 = arith.constant 1 : i32
    scf.for %while3A_16 = %while3A_13 to %while3A_9 step %while3A_15  : i32 {
      %mul3A = arith.constant 512 : i32
      %mul3A_17 = arith.muli %while3A_16, %mul3A : i32
      %get3A_18 = arith.constant 0 : index
      %get3A_19 = arith.constant 0 : index
      %get3A_20 = arith.index_cast %mul3A_17 : i32 to index
      %get3A_21 = vector.load %arg2[%get3A_18, %get3A_19, %get3A_20] : memref<1x8x5120xf32, #tpu.memory_space<vmem>>, vector<1x1x512xf32>
      %get3A_22 = vector.shape_cast %get3A_21 : vector<1x1x512xf32> to vector<512xf32>
      %get3A_23 = arith.constant 0 : index
      %get3A_24 = arith.constant 1 : index
      %get3A_25 = arith.index_cast %mul3A_17 : i32 to index
      %get3A_26 = vector.load %arg2[%get3A_23, %get3A_24, %get3A_25] : memref<1x8x5120xf32, #tpu.memory_space<vmem>>, vector<1x1x512xf32>
      %get3A_27 = vector.shape_cast %get3A_26 : vector<1x1x512xf32> to vector<512xf32>
      %get3A_28 = arith.constant 0 : index
      %get3A_29 = arith.constant 2 : index
      %get3A_30 = arith.index_cast %mul3A_17 : i32 to index
      %get3A_31 = vector.load %arg2[%get3A_28, %get3A_29, %get3A_30] : memref<1x8x5120xf32, #tpu.memory_space<vmem>>, vector<1x1x512xf32>
      %get3A_32 = vector.shape_cast %get3A_31 : vector<1x1x512xf32> to vector<512xf32>
      %get3A_33 = arith.constant 0 : index
      %get3A_34 = arith.constant 3 : index
      %get3A_35 = arith.index_cast %mul3A_17 : i32 to index
      %get3A_36 = vector.load %arg2[%get3A_33, %get3A_34, %get3A_35] : memref<1x8x5120xf32, #tpu.memory_space<vmem>>, vector<1x1x512xf32>
      %get3A_37 = vector.shape_cast %get3A_36 : vector<1x1x512xf32> to vector<512xf32>
      %get3A_38 = arith.constant 0 : index
      %get3A_39 = arith.constant 4 : index
      %get3A_40 = arith.index_cast %mul3A_17 : i32 to index
      %get3A_41 = vector.load %arg2[%get3A_38, %get3A_39, %get3A_40] : memref<1x8x5120xf32, #tpu.memory_space<vmem>>, vector<1x1x512xf32>
      %get3A_42 = vector.shape_cast %get3A_41 : vector<1x1x512xf32> to vector<512xf32>
      %sub3A = arith.subf %get3A_32, %get3A_22 : vector<512xf32>
      %max3A = arith.constant 0.000000e+00 : f32
      %max3A_43 = vector.broadcast %max3A : f32 to vector<512xf32>
      %max3A_44 = arith.maximumf %sub3A, %max3A_43 : vector<512xf32>
      %sub3A_45 = arith.subf %get3A_37, %get3A_27 : vector<512xf32>
      %max3A_46 = arith.constant 0.000000e+00 : f32
      %max3A_47 = vector.broadcast %max3A_46 : f32 to vector<512xf32>
      %max3A_48 = arith.maximumf %sub3A_45, %max3A_47 : vector<512xf32>
      %mul3A_49 = arith.mulf %max3A_44, %max3A_48 : vector<512xf32>
      %broadcast_in_dim3A_50 = arith.constant 0.000000e+00 : f32
      %broadcast_in_dim3A_51 = vector.broadcast %broadcast_in_dim3A_50 : f32 to vector<512xf32>
      %while3A_52 = arith.constant 0 : i32
      %while3A_53 = arith.subi %while3A_16, %while3A_52 : i32
      %while3A_54 = arith.addi %while3A_52, %while3A_53 : i32
      %while3A_55 = arith.constant 1 : i32
      %while3A_56 = arith.divsi %while3A_53, %while3A_55 : i32
      %while3A_57 = arith.muli %while3A_56, %while3A_55 : i32
      %while3A_58 = arith.addi %while3A_52, %while3A_57 : i32
      %while3A_59 = arith.constant 1 : i32
      %while3A_60 = scf.for %while3A_233 = %while3A_52 to %while3A_58 step %while3A_59 iter_args(%while3A_234 = %broadcast_in_dim3A_51) -> (vector<512xf32>)  : i32 {
        %mul3A_235 = arith.constant 512 : i32
        %mul3A_236 = arith.muli %while3A_233, %mul3A_235 : i32
        %get3A_237 = arith.constant 0 : index
        %get3A_238 = arith.constant 0 : index
        %get3A_239 = arith.index_cast %mul3A_236 : i32 to index
        %get3A_240 = vector.load %arg2[%get3A_237, %get3A_238, %get3A_239] : memref<1x8x5120xf32, #tpu.memory_space<vmem>>, vector<1x1x512xf32>
        %get3A_241 = vector.shape_cast %get3A_240 : vector<1x1x512xf32> to vector<512xf32>
        %get3A_242 = arith.constant 0 : index
        %get3A_243 = arith.constant 1 : index
        %get3A_244 = arith.index_cast %mul3A_236 : i32 to index
        %get3A_245 = vector.load %arg2[%get3A_242, %get3A_243, %get3A_244] : memref<1x8x5120xf32, #tpu.memory_space<vmem>>, vector<1x1x512xf32>
        %get3A_246 = vector.shape_cast %get3A_245 : vector<1x1x512xf32> to vector<512xf32>
        %get3A_247 = arith.constant 0 : index
        %get3A_248 = arith.constant 2 : index
        %get3A_249 = arith.index_cast %mul3A_236 : i32 to index
        %get3A_250 = vector.load %arg2[%get3A_247, %get3A_248, %get3A_249] : memref<1x8x5120xf32, #tpu.memory_space<vmem>>, vector<1x1x512xf32>
        %get3A_251 = vector.shape_cast %get3A_250 : vector<1x1x512xf32> to vector<512xf32>
        %get3A_252 = arith.constant 0 : index
        %get3A_253 = arith.constant 3 : index
        %get3A_254 = arith.index_cast %mul3A_236 : i32 to index
        %get3A_255 = vector.load %arg2[%get3A_252, %get3A_253, %get3A_254] : memref<1x8x5120xf32, #tpu.memory_space<vmem>>, vector<1x1x512xf32>
        %get3A_256 = vector.shape_cast %get3A_255 : vector<1x1x512xf32> to vector<512xf32>
        %get3A_257 = arith.constant 0 : index
        %get3A_258 = arith.constant 0 : index
        %get3A_259 = arith.index_cast %mul3A_236 : i32 to index
        %get3A_260 = vector.load %arg3[%get3A_257, %get3A_258, %get3A_259] : memref<1x1x5120xf32, #tpu.memory_space<vmem>>, vector<1x1x512xf32>
        %get3A_261 = vector.shape_cast %get3A_260 : vector<1x1x512xf32> to vector<512xf32>
        %sub3A_262 = arith.subf %get3A_251, %get3A_241 : vector<512xf32>
        %max3A_263 = arith.constant 0.000000e+00 : f32
        %max3A_264 = vector.broadcast %max3A_263 : f32 to vector<512xf32>
        %max3A_265 = arith.maximumf %sub3A_262, %max3A_264 : vector<512xf32>
        %sub3A_266 = arith.subf %get3A_256, %get3A_246 : vector<512xf32>
        %max3A_267 = arith.constant 0.000000e+00 : f32
        %max3A_268 = vector.broadcast %max3A_267 : f32 to vector<512xf32>
        %max3A_269 = arith.maximumf %sub3A_266, %max3A_268 : vector<512xf32>
        %mul3A_270 = arith.mulf %max3A_265, %max3A_269 : vector<512xf32>
        %broadcast_in_dim3A_271 = vector.shape_cast %get3A_251 : vector<512xf32> to vector<512x1xf32>
        %broadcast_in_dim3A_272 = vector.shape_cast %get3A_32 : vector<512xf32> to vector<1x512xf32>
        %min3A_273 = vector.broadcast %broadcast_in_dim3A_271 : vector<512x1xf32> to vector<512x512xf32>
        %min3A_274 = vector.broadcast %broadcast_in_dim3A_272 : vector<1x512xf32> to vector<512x512xf32>
        %min3A_275 = arith.minimumf %min3A_273, %min3A_274 : vector<512x512xf32>
        %broadcast_in_dim3A_276 = vector.shape_cast %get3A_241 : vector<512xf32> to vector<512x1xf32>
        %broadcast_in_dim3A_277 = vector.shape_cast %get3A_22 : vector<512xf32> to vector<1x512xf32>
        %max3A_278 = vector.broadcast %broadcast_in_dim3A_276 : vector<512x1xf32> to vector<512x512xf32>
        %max3A_279 = vector.broadcast %broadcast_in_dim3A_277 : vector<1x512xf32> to vector<512x512xf32>
        %max3A_280 = arith.maximumf %max3A_278, %max3A_279 : vector<512x512xf32>
        %sub3A_281 = arith.subf %min3A_275, %max3A_280 : vector<512x512xf32>
        %max3A_282 = arith.constant 0.000000e+00 : f32
        %max3A_283 = vector.broadcast %max3A_282 : f32 to vector<512x512xf32>
        %max3A_284 = arith.maximumf %sub3A_281, %max3A_283 : vector<512x512xf32>
        %broadcast_in_dim3A_285 = vector.shape_cast %get3A_256 : vector<512xf32> to vector<512x1xf32>
        %broadcast_in_dim3A_286 = vector.shape_cast %get3A_37 : vector<512xf32> to vector<1x512xf32>
        %min3A_287 = vector.broadcast %broadcast_in_dim3A_285 : vector<512x1xf32> to vector<512x512xf32>
        %min3A_288 = vector.broadcast %broadcast_in_dim3A_286 : vector<1x512xf32> to vector<512x512xf32>
        %min3A_289 = arith.minimumf %min3A_287, %min3A_288 : vector<512x512xf32>
        %broadcast_in_dim3A_290 = vector.shape_cast %get3A_246 : vector<512xf32> to vector<512x1xf32>
        %broadcast_in_dim3A_291 = vector.shape_cast %get3A_27 : vector<512xf32> to vector<1x512xf32>
        %max3A_292 = vector.broadcast %broadcast_in_dim3A_290 : vector<512x1xf32> to vector<512x512xf32>
        %max3A_293 = vector.broadcast %broadcast_in_dim3A_291 : vector<1x512xf32> to vector<512x512xf32>
        %max3A_294 = arith.maximumf %max3A_292, %max3A_293 : vector<512x512xf32>
        %sub3A_295 = arith.subf %min3A_289, %max3A_294 : vector<512x512xf32>
        %max3A_296 = arith.constant 0.000000e+00 : f32
        %max3A_297 = vector.broadcast %max3A_296 : f32 to vector<512x512xf32>
        %max3A_298 = arith.maximumf %sub3A_295, %max3A_297 : vector<512x512xf32>
        %mul3A_299 = arith.mulf %max3A_284, %max3A_298 : vector<512x512xf32>
        %broadcast_in_dim3A_300 = vector.shape_cast %mul3A_270 : vector<512xf32> to vector<512x1xf32>
        %broadcast_in_dim3A_301 = vector.shape_cast %mul3A_49 : vector<512xf32> to vector<1x512xf32>
        %add3A_302 = vector.broadcast %broadcast_in_dim3A_300 : vector<512x1xf32> to vector<512x512xf32>
        %add3A_303 = vector.broadcast %broadcast_in_dim3A_301 : vector<1x512xf32> to vector<512x512xf32>
        %add3A_304 = arith.addf %add3A_302, %add3A_303 : vector<512x512xf32>
        %sub3A_305 = arith.subf %add3A_304, %mul3A_299 : vector<512x512xf32>
        %add3A_306 = arith.constant 9.99999971E-10 : f32
        %add3A_307 = vector.broadcast %add3A_306 : f32 to vector<512x512xf32>
        %add3A_308 = arith.addf %sub3A_305, %add3A_307 : vector<512x512xf32>
        %div3A_309 = arith.divf %mul3A_299, %add3A_308 : vector<512x512xf32>
        %gt3A_310 = arith.constant 3.000000e-01 : f32
        %gt3A_311 = vector.broadcast %gt3A_310 : f32 to vector<512x512xf32>
        %gt3A_312 = arith.cmpf ogt, %div3A_309, %gt3A_311 : vector<512x512xf32>
        %broadcast_in_dim3A_313 = vector.shape_cast %get3A_261 : vector<512xf32> to vector<512x1xf32>
        %jit3A_314 = arith.constant 0.000000e+00 : f32
        %broadcast_in_dim3A_315 = vector.shape_cast %broadcast_in_dim3A_313 : vector<512x1xf32> to vector<512x1xf32>
        %broadcast_in_dim3A_316 = vector.broadcast %broadcast_in_dim3A_315 : vector<512x1xf32> to vector<512x512xf32>
        %broadcast_in_dim3A_317 = vector.broadcast %jit3A_314 : f32 to vector<512x512xf32>
        %select_n3A_318 = arith.select %gt3A_312, %broadcast_in_dim3A_316, %broadcast_in_dim3A_317 : vector<512x512xi1>, vector<512x512xf32>
        %reduce_max3A_319 = arith.constant dense<0xFF800000> : vector<512xf32>
        %reduce_max3A_320 = vector.multi_reduction <maximumf>, %select_n3A_318, %reduce_max3A_319 [0] : vector<512x512xf32> to vector<512xf32>
        %max3A_321 = arith.maximumf %while3A_234, %reduce_max3A_320 : vector<512xf32>
        scf.yield %max3A_321 : vector<512xf32>
      }
      %while3A_61 = arith.constant 1 : i32
      %while3A_62 = scf.for %while3A_233 = %while3A_58 to %while3A_54 step %while3A_61 iter_args(%while3A_234 = %while3A_60) -> (vector<512xf32>)  : i32 {
        %mul3A_235 = arith.constant 512 : i32
        %mul3A_236 = arith.muli %while3A_233, %mul3A_235 : i32
        %get3A_237 = arith.constant 0 : index
        %get3A_238 = arith.constant 0 : index
        %get3A_239 = arith.index_cast %mul3A_236 : i32 to index
        %get3A_240 = vector.load %arg2[%get3A_237, %get3A_238, %get3A_239] : memref<1x8x5120xf32, #tpu.memory_space<vmem>>, vector<1x1x512xf32>
        %get3A_241 = vector.shape_cast %get3A_240 : vector<1x1x512xf32> to vector<512xf32>
        %get3A_242 = arith.constant 0 : index
        %get3A_243 = arith.constant 1 : index
        %get3A_244 = arith.index_cast %mul3A_236 : i32 to index
        %get3A_245 = vector.load %arg2[%get3A_242, %get3A_243, %get3A_244] : memref<1x8x5120xf32, #tpu.memory_space<vmem>>, vector<1x1x512xf32>
        %get3A_246 = vector.shape_cast %get3A_245 : vector<1x1x512xf32> to vector<512xf32>
        %get3A_247 = arith.constant 0 : index
        %get3A_248 = arith.constant 2 : index
        %get3A_249 = arith.index_cast %mul3A_236 : i32 to index
        %get3A_250 = vector.load %arg2[%get3A_247, %get3A_248, %get3A_249] : memref<1x8x5120xf32, #tpu.memory_space<vmem>>, vector<1x1x512xf32>
        %get3A_251 = vector.shape_cast %get3A_250 : vector<1x1x512xf32> to vector<512xf32>
        %get3A_252 = arith.constant 0 : index
        %get3A_253 = arith.constant 3 : index
        %get3A_254 = arith.index_cast %mul3A_236 : i32 to index
        %get3A_255 = vector.load %arg2[%get3A_252, %get3A_253, %get3A_254] : memref<1x8x5120xf32, #tpu.memory_space<vmem>>, vector<1x1x512xf32>
        %get3A_256 = vector.shape_cast %get3A_255 : vector<1x1x512xf32> to vector<512xf32>
        %get3A_257 = arith.constant 0 : index
        %get3A_258 = arith.constant 0 : index
        %get3A_259 = arith.index_cast %mul3A_236 : i32 to index
        %get3A_260 = vector.load %arg3[%get3A_257, %get3A_258, %get3A_259] : memref<1x1x5120xf32, #tpu.memory_space<vmem>>, vector<1x1x512xf32>
        %get3A_261 = vector.shape_cast %get3A_260 : vector<1x1x512xf32> to vector<512xf32>
        %sub3A_262 = arith.subf %get3A_251, %get3A_241 : vector<512xf32>
        %max3A_263 = arith.constant 0.000000e+00 : f32
        %max3A_264 = vector.broadcast %max3A_263 : f32 to vector<512xf32>
        %max3A_265 = arith.maximumf %sub3A_262, %max3A_264 : vector<512xf32>
        %sub3A_266 = arith.subf %get3A_256, %get3A_246 : vector<512xf32>
        %max3A_267 = arith.constant 0.000000e+00 : f32
        %max3A_268 = vector.broadcast %max3A_267 : f32 to vector<512xf32>
        %max3A_269 = arith.maximumf %sub3A_266, %max3A_268 : vector<512xf32>
        %mul3A_270 = arith.mulf %max3A_265, %max3A_269 : vector<512xf32>
        %broadcast_in_dim3A_271 = vector.shape_cast %get3A_251 : vector<512xf32> to vector<512x1xf32>
        %broadcast_in_dim3A_272 = vector.shape_cast %get3A_32 : vector<512xf32> to vector<1x512xf32>
        %min3A_273 = vector.broadcast %broadcast_in_dim3A_271 : vector<512x1xf32> to vector<512x512xf32>
        %min3A_274 = vector.broadcast %broadcast_in_dim3A_272 : vector<1x512xf32> to vector<512x512xf32>
        %min3A_275 = arith.minimumf %min3A_273, %min3A_274 : vector<512x512xf32>
        %broadcast_in_dim3A_276 = vector.shape_cast %get3A_241 : vector<512xf32> to vector<512x1xf32>
        %broadcast_in_dim3A_277 = vector.shape_cast %get3A_22 : vector<512xf32> to vector<1x512xf32>
        %max3A_278 = vector.broadcast %broadcast_in_dim3A_276 : vector<512x1xf32> to vector<512x512xf32>
        %max3A_279 = vector.broadcast %broadcast_in_dim3A_277 : vector<1x512xf32> to vector<512x512xf32>
        %max3A_280 = arith.maximumf %max3A_278, %max3A_279 : vector<512x512xf32>
        %sub3A_281 = arith.subf %min3A_275, %max3A_280 : vector<512x512xf32>
        %max3A_282 = arith.constant 0.000000e+00 : f32
        %max3A_283 = vector.broadcast %max3A_282 : f32 to vector<512x512xf32>
        %max3A_284 = arith.maximumf %sub3A_281, %max3A_283 : vector<512x512xf32>
        %broadcast_in_dim3A_285 = vector.shape_cast %get3A_256 : vector<512xf32> to vector<512x1xf32>
        %broadcast_in_dim3A_286 = vector.shape_cast %get3A_37 : vector<512xf32> to vector<1x512xf32>
        %min3A_287 = vector.broadcast %broadcast_in_dim3A_285 : vector<512x1xf32> to vector<512x512xf32>
        %min3A_288 = vector.broadcast %broadcast_in_dim3A_286 : vector<1x512xf32> to vector<512x512xf32>
        %min3A_289 = arith.minimumf %min3A_287, %min3A_288 : vector<512x512xf32>
        %broadcast_in_dim3A_290 = vector.shape_cast %get3A_246 : vector<512xf32> to vector<512x1xf32>
        %broadcast_in_dim3A_291 = vector.shape_cast %get3A_27 : vector<512xf32> to vector<1x512xf32>
        %max3A_292 = vector.broadcast %broadcast_in_dim3A_290 : vector<512x1xf32> to vector<512x512xf32>
        %max3A_293 = vector.broadcast %broadcast_in_dim3A_291 : vector<1x512xf32> to vector<512x512xf32>
        %max3A_294 = arith.maximumf %max3A_292, %max3A_293 : vector<512x512xf32>
        %sub3A_295 = arith.subf %min3A_289, %max3A_294 : vector<512x512xf32>
        %max3A_296 = arith.constant 0.000000e+00 : f32
        %max3A_297 = vector.broadcast %max3A_296 : f32 to vector<512x512xf32>
        %max3A_298 = arith.maximumf %sub3A_295, %max3A_297 : vector<512x512xf32>
        %mul3A_299 = arith.mulf %max3A_284, %max3A_298 : vector<512x512xf32>
        %broadcast_in_dim3A_300 = vector.shape_cast %mul3A_270 : vector<512xf32> to vector<512x1xf32>
        %broadcast_in_dim3A_301 = vector.shape_cast %mul3A_49 : vector<512xf32> to vector<1x512xf32>
        %add3A_302 = vector.broadcast %broadcast_in_dim3A_300 : vector<512x1xf32> to vector<512x512xf32>
        %add3A_303 = vector.broadcast %broadcast_in_dim3A_301 : vector<1x512xf32> to vector<512x512xf32>
        %add3A_304 = arith.addf %add3A_302, %add3A_303 : vector<512x512xf32>
        %sub3A_305 = arith.subf %add3A_304, %mul3A_299 : vector<512x512xf32>
        %add3A_306 = arith.constant 9.99999971E-10 : f32
        %add3A_307 = vector.broadcast %add3A_306 : f32 to vector<512x512xf32>
        %add3A_308 = arith.addf %sub3A_305, %add3A_307 : vector<512x512xf32>
        %div3A_309 = arith.divf %mul3A_299, %add3A_308 : vector<512x512xf32>
        %gt3A_310 = arith.constant 3.000000e-01 : f32
        %gt3A_311 = vector.broadcast %gt3A_310 : f32 to vector<512x512xf32>
        %gt3A_312 = arith.cmpf ogt, %div3A_309, %gt3A_311 : vector<512x512xf32>
        %broadcast_in_dim3A_313 = vector.shape_cast %get3A_261 : vector<512xf32> to vector<512x1xf32>
        %jit3A_314 = arith.constant 0.000000e+00 : f32
        %broadcast_in_dim3A_315 = vector.shape_cast %broadcast_in_dim3A_313 : vector<512x1xf32> to vector<512x1xf32>
        %broadcast_in_dim3A_316 = vector.broadcast %broadcast_in_dim3A_315 : vector<512x1xf32> to vector<512x512xf32>
        %broadcast_in_dim3A_317 = vector.broadcast %jit3A_314 : f32 to vector<512x512xf32>
        %select_n3A_318 = arith.select %gt3A_312, %broadcast_in_dim3A_316, %broadcast_in_dim3A_317 : vector<512x512xi1>, vector<512x512xf32>
        %reduce_max3A_319 = arith.constant dense<0xFF800000> : vector<512xf32>
        %reduce_max3A_320 = vector.multi_reduction <maximumf>, %select_n3A_318, %reduce_max3A_319 [0] : vector<512x512xf32> to vector<512xf32>
        %max3A_321 = arith.maximumf %while3A_234, %reduce_max3A_320 : vector<512xf32>
        scf.yield %max3A_321 : vector<512xf32>
      }
      %broadcast_in_dim3A_63 = vector.shape_cast %get3A_32 : vector<512xf32> to vector<512x1xf32>
      %broadcast_in_dim3A_64 = vector.shape_cast %get3A_32 : vector<512xf32> to vector<1x512xf32>
      %min3A = vector.broadcast %broadcast_in_dim3A_63 : vector<512x1xf32> to vector<512x512xf32>
      %min3A_65 = vector.broadcast %broadcast_in_dim3A_64 : vector<1x512xf32> to vector<512x512xf32>
      %min3A_66 = arith.minimumf %min3A, %min3A_65 : vector<512x512xf32>
      %broadcast_in_dim3A_67 = vector.shape_cast %get3A_22 : vector<512xf32> to vector<512x1xf32>
      %broadcast_in_dim3A_68 = vector.shape_cast %get3A_22 : vector<512xf32> to vector<1x512xf32>
      %max3A_69 = vector.broadcast %broadcast_in_dim3A_67 : vector<512x1xf32> to vector<512x512xf32>
      %max3A_70 = vector.broadcast %broadcast_in_dim3A_68 : vector<1x512xf32> to vector<512x512xf32>
      %max3A_71 = arith.maximumf %max3A_69, %max3A_70 : vector<512x512xf32>
      %sub3A_72 = arith.subf %min3A_66, %max3A_71 : vector<512x512xf32>
      %max3A_73 = arith.constant 0.000000e+00 : f32
      %max3A_74 = vector.broadcast %max3A_73 : f32 to vector<512x512xf32>
      %max3A_75 = arith.maximumf %sub3A_72, %max3A_74 : vector<512x512xf32>
      %broadcast_in_dim3A_76 = vector.shape_cast %get3A_37 : vector<512xf32> to vector<512x1xf32>
      %broadcast_in_dim3A_77 = vector.shape_cast %get3A_37 : vector<512xf32> to vector<1x512xf32>
      %min3A_78 = vector.broadcast %broadcast_in_dim3A_76 : vector<512x1xf32> to vector<512x512xf32>
      %min3A_79 = vector.broadcast %broadcast_in_dim3A_77 : vector<1x512xf32> to vector<512x512xf32>
      %min3A_80 = arith.minimumf %min3A_78, %min3A_79 : vector<512x512xf32>
      %broadcast_in_dim3A_81 = vector.shape_cast %get3A_27 : vector<512xf32> to vector<512x1xf32>
      %broadcast_in_dim3A_82 = vector.shape_cast %get3A_27 : vector<512xf32> to vector<1x512xf32>
      %max3A_83 = vector.broadcast %broadcast_in_dim3A_81 : vector<512x1xf32> to vector<512x512xf32>
      %max3A_84 = vector.broadcast %broadcast_in_dim3A_82 : vector<1x512xf32> to vector<512x512xf32>
      %max3A_85 = arith.maximumf %max3A_83, %max3A_84 : vector<512x512xf32>
      %sub3A_86 = arith.subf %min3A_80, %max3A_85 : vector<512x512xf32>
      %max3A_87 = arith.constant 0.000000e+00 : f32
      %max3A_88 = vector.broadcast %max3A_87 : f32 to vector<512x512xf32>
      %max3A_89 = arith.maximumf %sub3A_86, %max3A_88 : vector<512x512xf32>
      %mul3A_90 = arith.mulf %max3A_75, %max3A_89 : vector<512x512xf32>
      %broadcast_in_dim3A_91 = vector.shape_cast %mul3A_49 : vector<512xf32> to vector<512x1xf32>
      %broadcast_in_dim3A_92 = vector.shape_cast %mul3A_49 : vector<512xf32> to vector<1x512xf32>
      %add3A = vector.broadcast %broadcast_in_dim3A_91 : vector<512x1xf32> to vector<512x512xf32>
      %add3A_93 = vector.broadcast %broadcast_in_dim3A_92 : vector<1x512xf32> to vector<512x512xf32>
      %add3A_94 = arith.addf %add3A, %add3A_93 : vector<512x512xf32>
      %sub3A_95 = arith.subf %add3A_94, %mul3A_90 : vector<512x512xf32>
      %add3A_96 = arith.constant 9.99999971E-10 : f32
      %add3A_97 = vector.broadcast %add3A_96 : f32 to vector<512x512xf32>
      %add3A_98 = arith.addf %sub3A_95, %add3A_97 : vector<512x512xf32>
      %div3A = arith.divf %mul3A_90, %add3A_98 : vector<512x512xf32>
      %iota3A = tpu.iota {dimensions = array<i32: 0>} : vector<512x512xi32>
      %iota3A_99 = tpu.iota {dimensions = array<i32: 1>} : vector<512x512xi32>
      %gt3A = arith.constant 3.000000e-01 : f32
      %gt3A_100 = vector.broadcast %gt3A : f32 to vector<512x512xf32>
      %gt3A_101 = arith.cmpf ogt, %div3A, %gt3A_100 : vector<512x512xf32>
      %lt3A = arith.cmpi slt, %iota3A, %iota3A_99 : vector<512x512xi32>
      %and3A = arith.andi %gt3A_101, %lt3A : vector<512x512xi1>
      %jit3A = arith.constant 1.000000e+00 : f32
      %jit3A_102 = arith.constant 0.000000e+00 : f32
      %broadcast_in_dim3A_103 = vector.broadcast %jit3A : f32 to vector<512x512xf32>
      %broadcast_in_dim3A_104 = vector.broadcast %jit3A_102 : f32 to vector<512x512xf32>
      %select_n3A = arith.select %and3A, %broadcast_in_dim3A_103, %broadcast_in_dim3A_104 : vector<512x512xi1>, vector<512x512xf32>
      %sub3A_105 = arith.constant 1.000000e+00 : f32
      %sub3A_106 = vector.broadcast %sub3A_105 : f32 to vector<512xf32>
      %sub3A_107 = arith.subf %sub3A_106, %get3A_42 : vector<512xf32>
      %max3A_108 = arith.maximumf %sub3A_107, %while3A_62 : vector<512xf32>
      %broadcast_in_dim3A_109 = arith.constant 0.000000e+00 : f32
      %broadcast_in_dim3A_110 = vector.broadcast %broadcast_in_dim3A_109 : f32 to vector<512xf32>
      %sub3A_111 = arith.constant 1.000000e+00 : f32
      %sub3A_112 = vector.broadcast %sub3A_111 : f32 to vector<512xf32>
      %sub3A_113 = arith.subf %sub3A_112, %max3A_108 : vector<512xf32>
      %mul3A_114 = arith.mulf %get3A_42, %sub3A_113 : vector<512xf32>
      %sub3A_115 = arith.constant 1.000000e+00 : f32
      %sub3A_116 = vector.broadcast %sub3A_115 : f32 to vector<512xf32>
      %sub3A_117 = arith.subf %sub3A_116, %max3A_108 : vector<512xf32>
      %broadcast_in_dim3A_118 = vector.shape_cast %sub3A_117 : vector<512xf32> to vector<512x1xf32>
      %mul3A_119 = vector.broadcast %broadcast_in_dim3A_118 : vector<512x1xf32> to vector<512x512xf32>
      %mul3A_120 = arith.mulf %select_n3A, %mul3A_119 : vector<512x512xf32>
      %reduce_max3A = arith.constant dense<0xFF800000> : vector<512xf32>
      %reduce_max3A_121 = vector.multi_reduction <maximumf>, %mul3A_120, %reduce_max3A [0] : vector<512x512xf32> to vector<512xf32>
      %sub3A_122 = arith.constant 1.000000e+00 : f32
      %sub3A_123 = vector.broadcast %sub3A_122 : f32 to vector<512xf32>
      %sub3A_124 = arith.subf %sub3A_123, %reduce_max3A_121 : vector<512xf32>
      %mul3A_125 = arith.mulf %mul3A_114, %sub3A_124 : vector<512xf32>
      %max3A_126 = arith.maximumf %broadcast_in_dim3A_110, %mul3A_125 : vector<512xf32>
      %broadcast_in_dim3A_127 = vector.shape_cast %max3A_126 : vector<512xf32> to vector<512x1xf32>
      %mul3A_128 = vector.broadcast %broadcast_in_dim3A_127 : vector<512x1xf32> to vector<512x512xf32>
      %mul3A_129 = arith.mulf %select_n3A, %mul3A_128 : vector<512x512xf32>
      %reduce_max3A_130 = arith.constant dense<0xFF800000> : vector<512xf32>
      %reduce_max3A_131 = vector.multi_reduction <maximumf>, %mul3A_129, %reduce_max3A_130 [0] : vector<512x512xf32> to vector<512xf32>
      %mul3A_132 = arith.mulf %mul3A_114, %reduce_max3A_131 : vector<512xf32>
      %max3A_133 = arith.maximumf %max3A_108, %mul3A_132 : vector<512xf32>
      %sub3A_134 = arith.constant 1.000000e+00 : f32
      %sub3A_135 = vector.broadcast %sub3A_134 : f32 to vector<512xf32>
      %sub3A_136 = arith.subf %sub3A_135, %max3A_126 : vector<512xf32>
      %mul3A_137 = arith.mulf %mul3A_114, %sub3A_136 : vector<512xf32>
      %sub3A_138 = arith.constant 1.000000e+00 : f32
      %sub3A_139 = vector.broadcast %sub3A_138 : f32 to vector<512xf32>
      %sub3A_140 = arith.subf %sub3A_139, %max3A_133 : vector<512xf32>
      %mul3A_141 = arith.mulf %mul3A_137, %sub3A_140 : vector<512xf32>
      %sub3A_142 = arith.constant 1.000000e+00 : f32
      %sub3A_143 = vector.broadcast %sub3A_142 : f32 to vector<512xf32>
      %sub3A_144 = arith.subf %sub3A_143, %max3A_133 : vector<512xf32>
      %broadcast_in_dim3A_145 = vector.shape_cast %sub3A_144 : vector<512xf32> to vector<512x1xf32>
      %mul3A_146 = vector.broadcast %broadcast_in_dim3A_145 : vector<512x1xf32> to vector<512x512xf32>
      %mul3A_147 = arith.mulf %select_n3A, %mul3A_146 : vector<512x512xf32>
      %reduce_max3A_148 = arith.constant dense<0xFF800000> : vector<512xf32>
      %reduce_max3A_149 = vector.multi_reduction <maximumf>, %mul3A_147, %reduce_max3A_148 [0] : vector<512x512xf32> to vector<512xf32>
      %sub3A_150 = arith.constant 1.000000e+00 : f32
      %sub3A_151 = vector.broadcast %sub3A_150 : f32 to vector<512xf32>
      %sub3A_152 = arith.subf %sub3A_151, %reduce_max3A_149 : vector<512xf32>
      %mul3A_153 = arith.mulf %mul3A_141, %sub3A_152 : vector<512xf32>
      %max3A_154 = arith.maximumf %max3A_126, %mul3A_153 : vector<512xf32>
      %broadcast_in_dim3A_155 = vector.shape_cast %max3A_154 : vector<512xf32> to vector<512x1xf32>
      %mul3A_156 = vector.broadcast %broadcast_in_dim3A_155 : vector<512x1xf32> to vector<512x512xf32>
      %mul3A_157 = arith.mulf %select_n3A, %mul3A_156 : vector<512x512xf32>
      %reduce_max3A_158 = arith.constant dense<0xFF800000> : vector<512xf32>
      %reduce_max3A_159 = vector.multi_reduction <maximumf>, %mul3A_157, %reduce_max3A_158 [0] : vector<512x512xf32> to vector<512xf32>
      %mul3A_160 = arith.mulf %mul3A_141, %reduce_max3A_159 : vector<512xf32>
      %max3A_161 = arith.maximumf %max3A_133, %mul3A_160 : vector<512xf32>
      %sub3A_162 = arith.constant 1.000000e+00 : f32
      %sub3A_163 = vector.broadcast %sub3A_162 : f32 to vector<512xf32>
      %sub3A_164 = arith.subf %sub3A_163, %max3A_154 : vector<512xf32>
      %mul3A_165 = arith.mulf %mul3A_141, %sub3A_164 : vector<512xf32>
      %sub3A_166 = arith.constant 1.000000e+00 : f32
      %sub3A_167 = vector.broadcast %sub3A_166 : f32 to vector<512xf32>
      %sub3A_168 = arith.subf %sub3A_167, %max3A_161 : vector<512xf32>
      %mul3A_169 = arith.mulf %mul3A_165, %sub3A_168 : vector<512xf32>
      %sub3A_170 = arith.constant 1.000000e+00 : f32
      %sub3A_171 = vector.broadcast %sub3A_170 : f32 to vector<512xf32>
      %sub3A_172 = arith.subf %sub3A_171, %max3A_161 : vector<512xf32>
      %broadcast_in_dim3A_173 = vector.shape_cast %sub3A_172 : vector<512xf32> to vector<512x1xf32>
      %mul3A_174 = vector.broadcast %broadcast_in_dim3A_173 : vector<512x1xf32> to vector<512x512xf32>
      %mul3A_175 = arith.mulf %select_n3A, %mul3A_174 : vector<512x512xf32>
      %reduce_max3A_176 = arith.constant dense<0xFF800000> : vector<512xf32>
      %reduce_max3A_177 = vector.multi_reduction <maximumf>, %mul3A_175, %reduce_max3A_176 [0] : vector<512x512xf32> to vector<512xf32>
      %sub3A_178 = arith.constant 1.000000e+00 : f32
      %sub3A_179 = vector.broadcast %sub3A_178 : f32 to vector<512xf32>
      %sub3A_180 = arith.subf %sub3A_179, %reduce_max3A_177 : vector<512xf32>
      %mul3A_181 = arith.mulf %mul3A_169, %sub3A_180 : vector<512xf32>
      %max3A_182 = arith.maximumf %max3A_154, %mul3A_181 : vector<512xf32>
      %broadcast_in_dim3A_183 = vector.shape_cast %max3A_182 : vector<512xf32> to vector<512x1xf32>
      %mul3A_184 = vector.broadcast %broadcast_in_dim3A_183 : vector<512x1xf32> to vector<512x512xf32>
      %mul3A_185 = arith.mulf %select_n3A, %mul3A_184 : vector<512x512xf32>
      %reduce_max3A_186 = arith.constant dense<0xFF800000> : vector<512xf32>
      %reduce_max3A_187 = vector.multi_reduction <maximumf>, %mul3A_185, %reduce_max3A_186 [0] : vector<512x512xf32> to vector<512xf32>
      %mul3A_188 = arith.mulf %mul3A_169, %reduce_max3A_187 : vector<512xf32>
      %max3A_189 = arith.maximumf %max3A_161, %mul3A_188 : vector<512xf32>
      %sub3A_190 = arith.constant 1.000000e+00 : f32
      %sub3A_191 = vector.broadcast %sub3A_190 : f32 to vector<512xf32>
      %sub3A_192 = arith.subf %sub3A_191, %max3A_182 : vector<512xf32>
      %mul3A_193 = arith.mulf %mul3A_169, %sub3A_192 : vector<512xf32>
      %sub3A_194 = arith.constant 1.000000e+00 : f32
      %sub3A_195 = vector.broadcast %sub3A_194 : f32 to vector<512xf32>
      %sub3A_196 = arith.subf %sub3A_195, %max3A_189 : vector<512xf32>
      %mul3A_197 = arith.mulf %mul3A_193, %sub3A_196 : vector<512xf32>
      %sub3A_198 = arith.constant 1.000000e+00 : f32
      %sub3A_199 = vector.broadcast %sub3A_198 : f32 to vector<512xf32>
      %sub3A_200 = arith.subf %sub3A_199, %max3A_189 : vector<512xf32>
      %broadcast_in_dim3A_201 = vector.shape_cast %sub3A_200 : vector<512xf32> to vector<512x1xf32>
      %mul3A_202 = vector.broadcast %broadcast_in_dim3A_201 : vector<512x1xf32> to vector<512x512xf32>
      %mul3A_203 = arith.mulf %select_n3A, %mul3A_202 : vector<512x512xf32>
      %reduce_max3A_204 = arith.constant dense<0xFF800000> : vector<512xf32>
      %reduce_max3A_205 = vector.multi_reduction <maximumf>, %mul3A_203, %reduce_max3A_204 [0] : vector<512x512xf32> to vector<512xf32>
      %sub3A_206 = arith.constant 1.000000e+00 : f32
      %sub3A_207 = vector.broadcast %sub3A_206 : f32 to vector<512xf32>
      %sub3A_208 = arith.subf %sub3A_207, %reduce_max3A_205 : vector<512xf32>
      %mul3A_209 = arith.mulf %mul3A_197, %sub3A_208 : vector<512xf32>
      %max3A_210 = arith.maximumf %max3A_182, %mul3A_209 : vector<512xf32>
      %broadcast_in_dim3A_211 = vector.shape_cast %max3A_210 : vector<512xf32> to vector<512x1xf32>
      %mul3A_212 = vector.broadcast %broadcast_in_dim3A_211 : vector<512x1xf32> to vector<512x512xf32>
      %mul3A_213 = arith.mulf %select_n3A, %mul3A_212 : vector<512x512xf32>
      %reduce_max3A_214 = arith.constant dense<0xFF800000> : vector<512xf32>
      %reduce_max3A_215 = vector.multi_reduction <maximumf>, %mul3A_213, %reduce_max3A_214 [0] : vector<512x512xf32> to vector<512xf32>
      %mul3A_216 = arith.mulf %mul3A_197, %reduce_max3A_215 : vector<512xf32>
      %max3A_217 = arith.maximumf %max3A_189, %mul3A_216 : vector<512xf32>
      %sub3A_218 = arith.constant 1.000000e+00 : f32
      %sub3A_219 = vector.broadcast %sub3A_218 : f32 to vector<512xf32>
      %sub3A_220 = arith.subf %sub3A_219, %max3A_210 : vector<512xf32>
      %mul3A_221 = arith.mulf %mul3A_197, %sub3A_220 : vector<512xf32>
      %sub3A_222 = arith.constant 1.000000e+00 : f32
      %sub3A_223 = vector.broadcast %sub3A_222 : f32 to vector<512xf32>
      %sub3A_224 = arith.subf %sub3A_223, %max3A_217 : vector<512xf32>
      %mul3A_225 = arith.mulf %mul3A_221, %sub3A_224 : vector<512xf32>
      %while3A_226:3 = scf.while (%while3A_233 = %max3A_210, %while3A_234 = %max3A_217, %while3A_235 = %mul3A_225) : (vector<512xf32>, vector<512xf32>, vector<512xf32>) -> (vector<512xf32>, vector<512xf32>, vector<512xf32>) {
        %reduce_max3A_236 = vector.shape_cast %while3A_235 : vector<512xf32> to vector<1x512xf32>
        %reduce_max3A_237 = arith.constant dense<0xFF800000> : vector<1xf32>
        %reduce_max3A_238 = vector.multi_reduction <maximumf>, %reduce_max3A_236, %reduce_max3A_237 [1] : vector<1x512xf32> to vector<1xf32>
        %reduce_max3A_239 = vector.shape_cast %reduce_max3A_238 : vector<1xf32> to vector<1x1xf32>
        %reduce_max3A_240 = vector.extract %reduce_max3A_239[0, 0] : f32 from vector<1x1xf32>
        %gt3A_241 = arith.constant 0.000000e+00 : f32
        %gt3A_242 = arith.cmpf ogt, %reduce_max3A_240, %gt3A_241 : f32
        scf.condition(%gt3A_242) %while3A_233, %while3A_234, %while3A_235 : vector<512xf32>, vector<512xf32>, vector<512xf32>
      } do {
      ^bb0(%while3A_233: vector<512xf32>, %while3A_234: vector<512xf32>, %while3A_235: vector<512xf32>):
        %sub3A_236 = arith.constant 1.000000e+00 : f32
        %sub3A_237 = vector.broadcast %sub3A_236 : f32 to vector<512xf32>
        %sub3A_238 = arith.subf %sub3A_237, %while3A_234 : vector<512xf32>
        %broadcast_in_dim3A_239 = vector.shape_cast %sub3A_238 : vector<512xf32> to vector<512x1xf32>
        %mul3A_240 = vector.broadcast %broadcast_in_dim3A_239 : vector<512x1xf32> to vector<512x512xf32>
        %mul3A_241 = arith.mulf %select_n3A, %mul3A_240 : vector<512x512xf32>
        %reduce_max3A_242 = arith.constant dense<0xFF800000> : vector<512xf32>
        %reduce_max3A_243 = vector.multi_reduction <maximumf>, %mul3A_241, %reduce_max3A_242 [0] : vector<512x512xf32> to vector<512xf32>
        %sub3A_244 = arith.constant 1.000000e+00 : f32
        %sub3A_245 = vector.broadcast %sub3A_244 : f32 to vector<512xf32>
        %sub3A_246 = arith.subf %sub3A_245, %reduce_max3A_243 : vector<512xf32>
        %mul3A_247 = arith.mulf %while3A_235, %sub3A_246 : vector<512xf32>
        %max3A_248 = arith.maximumf %while3A_233, %mul3A_247 : vector<512xf32>
        %broadcast_in_dim3A_249 = vector.shape_cast %max3A_248 : vector<512xf32> to vector<512x1xf32>
        %mul3A_250 = vector.broadcast %broadcast_in_dim3A_249 : vector<512x1xf32> to vector<512x512xf32>
        %mul3A_251 = arith.mulf %select_n3A, %mul3A_250 : vector<512x512xf32>
        %reduce_max3A_252 = arith.constant dense<0xFF800000> : vector<512xf32>
        %reduce_max3A_253 = vector.multi_reduction <maximumf>, %mul3A_251, %reduce_max3A_252 [0] : vector<512x512xf32> to vector<512xf32>
        %mul3A_254 = arith.mulf %while3A_235, %reduce_max3A_253 : vector<512xf32>
        %max3A_255 = arith.maximumf %while3A_234, %mul3A_254 : vector<512xf32>
        %sub3A_256 = arith.constant 1.000000e+00 : f32
        %sub3A_257 = vector.broadcast %sub3A_256 : f32 to vector<512xf32>
        %sub3A_258 = arith.subf %sub3A_257, %max3A_248 : vector<512xf32>
        %mul3A_259 = arith.mulf %while3A_235, %sub3A_258 : vector<512xf32>
        %sub3A_260 = arith.constant 1.000000e+00 : f32
        %sub3A_261 = vector.broadcast %sub3A_260 : f32 to vector<512xf32>
        %sub3A_262 = arith.subf %sub3A_261, %max3A_255 : vector<512xf32>
        %mul3A_263 = arith.mulf %mul3A_259, %sub3A_262 : vector<512xf32>
        %sub3A_264 = arith.constant 1.000000e+00 : f32
        %sub3A_265 = vector.broadcast %sub3A_264 : f32 to vector<512xf32>
        %sub3A_266 = arith.subf %sub3A_265, %max3A_255 : vector<512xf32>
        %broadcast_in_dim3A_267 = vector.shape_cast %sub3A_266 : vector<512xf32> to vector<512x1xf32>
        %mul3A_268 = vector.broadcast %broadcast_in_dim3A_267 : vector<512x1xf32> to vector<512x512xf32>
        %mul3A_269 = arith.mulf %select_n3A, %mul3A_268 : vector<512x512xf32>
        %reduce_max3A_270 = arith.constant dense<0xFF800000> : vector<512xf32>
        %reduce_max3A_271 = vector.multi_reduction <maximumf>, %mul3A_269, %reduce_max3A_270 [0] : vector<512x512xf32> to vector<512xf32>
        %sub3A_272 = arith.constant 1.000000e+00 : f32
        %sub3A_273 = vector.broadcast %sub3A_272 : f32 to vector<512xf32>
        %sub3A_274 = arith.subf %sub3A_273, %reduce_max3A_271 : vector<512xf32>
        %mul3A_275 = arith.mulf %mul3A_263, %sub3A_274 : vector<512xf32>
        %max3A_276 = arith.maximumf %max3A_248, %mul3A_275 : vector<512xf32>
        %broadcast_in_dim3A_277 = vector.shape_cast %max3A_276 : vector<512xf32> to vector<512x1xf32>
        %mul3A_278 = vector.broadcast %broadcast_in_dim3A_277 : vector<512x1xf32> to vector<512x512xf32>
        %mul3A_279 = arith.mulf %select_n3A, %mul3A_278 : vector<512x512xf32>
        %reduce_max3A_280 = arith.constant dense<0xFF800000> : vector<512xf32>
        %reduce_max3A_281 = vector.multi_reduction <maximumf>, %mul3A_279, %reduce_max3A_280 [0] : vector<512x512xf32> to vector<512xf32>
        %mul3A_282 = arith.mulf %mul3A_263, %reduce_max3A_281 : vector<512xf32>
        %max3A_283 = arith.maximumf %max3A_255, %mul3A_282 : vector<512xf32>
        %sub3A_284 = arith.constant 1.000000e+00 : f32
        %sub3A_285 = vector.broadcast %sub3A_284 : f32 to vector<512xf32>
        %sub3A_286 = arith.subf %sub3A_285, %max3A_276 : vector<512xf32>
        %mul3A_287 = arith.mulf %mul3A_263, %sub3A_286 : vector<512xf32>
        %sub3A_288 = arith.constant 1.000000e+00 : f32
        %sub3A_289 = vector.broadcast %sub3A_288 : f32 to vector<512xf32>
        %sub3A_290 = arith.subf %sub3A_289, %max3A_283 : vector<512xf32>
        %mul3A_291 = arith.mulf %mul3A_287, %sub3A_290 : vector<512xf32>
        %sub3A_292 = arith.constant 1.000000e+00 : f32
        %sub3A_293 = vector.broadcast %sub3A_292 : f32 to vector<512xf32>
        %sub3A_294 = arith.subf %sub3A_293, %max3A_283 : vector<512xf32>
        %broadcast_in_dim3A_295 = vector.shape_cast %sub3A_294 : vector<512xf32> to vector<512x1xf32>
        %mul3A_296 = vector.broadcast %broadcast_in_dim3A_295 : vector<512x1xf32> to vector<512x512xf32>
        %mul3A_297 = arith.mulf %select_n3A, %mul3A_296 : vector<512x512xf32>
        %reduce_max3A_298 = arith.constant dense<0xFF800000> : vector<512xf32>
        %reduce_max3A_299 = vector.multi_reduction <maximumf>, %mul3A_297, %reduce_max3A_298 [0] : vector<512x512xf32> to vector<512xf32>
        %sub3A_300 = arith.constant 1.000000e+00 : f32
        %sub3A_301 = vector.broadcast %sub3A_300 : f32 to vector<512xf32>
        %sub3A_302 = arith.subf %sub3A_301, %reduce_max3A_299 : vector<512xf32>
        %mul3A_303 = arith.mulf %mul3A_291, %sub3A_302 : vector<512xf32>
        %max3A_304 = arith.maximumf %max3A_276, %mul3A_303 : vector<512xf32>
        %broadcast_in_dim3A_305 = vector.shape_cast %max3A_304 : vector<512xf32> to vector<512x1xf32>
        %mul3A_306 = vector.broadcast %broadcast_in_dim3A_305 : vector<512x1xf32> to vector<512x512xf32>
        %mul3A_307 = arith.mulf %select_n3A, %mul3A_306 : vector<512x512xf32>
        %reduce_max3A_308 = arith.constant dense<0xFF800000> : vector<512xf32>
        %reduce_max3A_309 = vector.multi_reduction <maximumf>, %mul3A_307, %reduce_max3A_308 [0] : vector<512x512xf32> to vector<512xf32>
        %mul3A_310 = arith.mulf %mul3A_291, %reduce_max3A_309 : vector<512xf32>
        %max3A_311 = arith.maximumf %max3A_283, %mul3A_310 : vector<512xf32>
        %sub3A_312 = arith.constant 1.000000e+00 : f32
        %sub3A_313 = vector.broadcast %sub3A_312 : f32 to vector<512xf32>
        %sub3A_314 = arith.subf %sub3A_313, %max3A_304 : vector<512xf32>
        %mul3A_315 = arith.mulf %mul3A_291, %sub3A_314 : vector<512xf32>
        %sub3A_316 = arith.constant 1.000000e+00 : f32
        %sub3A_317 = vector.broadcast %sub3A_316 : f32 to vector<512xf32>
        %sub3A_318 = arith.subf %sub3A_317, %max3A_311 : vector<512xf32>
        %mul3A_319 = arith.mulf %mul3A_315, %sub3A_318 : vector<512xf32>
        %sub3A_320 = arith.constant 1.000000e+00 : f32
        %sub3A_321 = vector.broadcast %sub3A_320 : f32 to vector<512xf32>
        %sub3A_322 = arith.subf %sub3A_321, %max3A_311 : vector<512xf32>
        %broadcast_in_dim3A_323 = vector.shape_cast %sub3A_322 : vector<512xf32> to vector<512x1xf32>
        %mul3A_324 = vector.broadcast %broadcast_in_dim3A_323 : vector<512x1xf32> to vector<512x512xf32>
        %mul3A_325 = arith.mulf %select_n3A, %mul3A_324 : vector<512x512xf32>
        %reduce_max3A_326 = arith.constant dense<0xFF800000> : vector<512xf32>
        %reduce_max3A_327 = vector.multi_reduction <maximumf>, %mul3A_325, %reduce_max3A_326 [0] : vector<512x512xf32> to vector<512xf32>
        %sub3A_328 = arith.constant 1.000000e+00 : f32
        %sub3A_329 = vector.broadcast %sub3A_328 : f32 to vector<512xf32>
        %sub3A_330 = arith.subf %sub3A_329, %reduce_max3A_327 : vector<512xf32>
        %mul3A_331 = arith.mulf %mul3A_319, %sub3A_330 : vector<512xf32>
        %max3A_332 = arith.maximumf %max3A_304, %mul3A_331 : vector<512xf32>
        %broadcast_in_dim3A_333 = vector.shape_cast %max3A_332 : vector<512xf32> to vector<512x1xf32>
        %mul3A_334 = vector.broadcast %broadcast_in_dim3A_333 : vector<512x1xf32> to vector<512x512xf32>
        %mul3A_335 = arith.mulf %select_n3A, %mul3A_334 : vector<512x512xf32>
        %reduce_max3A_336 = arith.constant dense<0xFF800000> : vector<512xf32>
        %reduce_max3A_337 = vector.multi_reduction <maximumf>, %mul3A_335, %reduce_max3A_336 [0] : vector<512x512xf32> to vector<512xf32>
        %mul3A_338 = arith.mulf %mul3A_319, %reduce_max3A_337 : vector<512xf32>
        %max3A_339 = arith.maximumf %max3A_311, %mul3A_338 : vector<512xf32>
        %sub3A_340 = arith.constant 1.000000e+00 : f32
        %sub3A_341 = vector.broadcast %sub3A_340 : f32 to vector<512xf32>
        %sub3A_342 = arith.subf %sub3A_341, %max3A_332 : vector<512xf32>
        %mul3A_343 = arith.mulf %mul3A_319, %sub3A_342 : vector<512xf32>
        %sub3A_344 = arith.constant 1.000000e+00 : f32
        %sub3A_345 = vector.broadcast %sub3A_344 : f32 to vector<512xf32>
        %sub3A_346 = arith.subf %sub3A_345, %max3A_339 : vector<512xf32>
        %mul3A_347 = arith.mulf %mul3A_343, %sub3A_346 : vector<512xf32>
        scf.yield %max3A_332, %max3A_339, %mul3A_347 : vector<512xf32>, vector<512xf32>, vector<512xf32>
      }
      %swap3A_227 = arith.constant 0 : index
      %swap3A_228 = arith.constant 0 : index
      %swap3A_229 = arith.index_cast %mul3A_17 : i32 to index
      %swap3A_230 = vector.load %arg3[%swap3A_227, %swap3A_228, %swap3A_229] : memref<1x1x5120xf32, #tpu.memory_space<vmem>>, vector<1x1x512xf32>
      %swap3A_231 = vector.shape_cast %swap3A_230 : vector<1x1x512xf32> to vector<512xf32>
      %swap3A_232 = vector.shape_cast %while3A_226#0 : vector<512xf32> to vector<1x1x512xf32>
      tpu.vector_store %arg3[%swap3A_227, %swap3A_228, %swap3A_229], %swap3A_232 {strides = array<i32>} : memref<1x1x5120xf32, #tpu.memory_space<vmem>>, vector<1x1x512xf32>,
    }
    return
  }
  func.func @transform_0(%arg0: i32, %arg1: memref<20xi32, #tpu.memory_space<smem>>) -> (i32, i32, i32) {
    %c0_i32 = arith.constant 0 : i32
    %c0_i32_0 = arith.constant 0 : i32
    %c0_i32_1 = arith.constant 0 : i32
    return %arg0, %c0_i32, %c0_i32_0 : i32, i32, i32
  }
  func.func @transform_1(%arg0: i32, %arg1: memref<20xi32, #tpu.memory_space<smem>>) -> (i32, i32, i32) {
    %c0_i32 = arith.constant 0 : i32
    %c0_i32_0 = arith.constant 0 : i32
    %c0_i32_1 = arith.constant 0 : i32
    return %arg0, %c0_i32, %c0_i32_0 : i32, i32, i32
  }
}

</mosaic_0001>

<sc_bundles>
// kernel: gather_offload_async_start.1
scs
__scs_entry_jumppad:
0x0: {  	(pc) =	sbr.rel $0x88, $3  }
0x1: {  	(tag) =	ssettag $0x0;
	lr =	simm.s32 $0x1  }
0x2: {  	[smem:$0x3F9F] =	sst lr;
	_ =	strace $0xD0000000  }
0x3: {  	_ = 	snop  }
0x4: {  	_ = 	snop  }
0x5: {  	_ = 	snop  }
0x6: {  	_ = 	snop  }
0x7: {  	_ = 	snop  }
__scs_overlays_trampoline_lowered:
0x8: {  	[smem:$0x3FAE] =	sst s0  }
0x9: {  	[smem:$0x3FAF] =	sst s1  }
0xa: {  	[smem:$0x3FB0] =	sst s2  }
0xb: {  	[smem:$0x3FB1] =	sst s3  }
0xc: {  	[smem:$0x3FB2] =	sst s4  }
0xd: {  	[smem:$0x3FB3] =	sst s5  }
0xe: {  	[smem:$0x3FB4] =	sst s6  }
0xf: {  	[smem:$0x3FB5] =	sst s7  }
0x10: {  	[smem:$0x3FB6] =	sst s8  }
0x11: {  	[smem:$0x3FB7] =	sst s9;
	s0 =	simm.s32 @!p0 $0x0  }
0x12: {  	s1 =	sld [smem:$0x3F9D];
	s0 =	simm.s32 @p0 $0x1  }
0x13: {  	[smem:$0x3FB8] =	sst s0;
	s0 =	simm.s32 @!p1 $0x0  }
0x14: {  	s2 =	sld [smem:$0x3F9C];
	s0 =	simm.s32 @p1 $0x1  }
0x15: {  	[smem:$0x3FB9] =	sst s0;
	s0 =	simm.s32 @!p2 $0x0  }
0x16: {  	s3 =	sld [smem:$0x3FDB];
	s0 =	simm.s32 @p2 $0x1  }
0x17: {  	s4 =	simm.s32 $0x1BF5;
	[smem:$0x3FBB] =	sst s0  }
0x18: {  	s0 =	sld [smem:$0x3F9E];
	_ =	swait.ge [sflag:s4], $0x0  }
0x19: {  	s7 =	sld [smem:$0x3F9F]  }
0x1a: {  	s8 =	sadd.s32 $0xFFFFE003, lr  }
0x1b: {  	s9 =	sadd.s32 $0xFFFFFEF7, lr;
	s5 =	simm.s32 $0xFFFFFFFF;
	p2 =	slt.u32 s8, $0xFFFFF086  }
0x1c: {  	p1 =	slt.u32 s9, $0xF7A;
	s5 =	simm.s32 @!p2 $0x0  }
0x1d: {  	s5 =	simm.s32 @p1 $0x1;
	p0 =	seq.s32 s7, s2  }
0x1e: {  	s7 =	smul.u32 @!p0 $0xF7A, s2;
	p2 =	seq.s32 @!p0 s5, $0x0  }
0x1f: {  	s9 =	smul.u32 $0xF7A, s1;
	s8 =	simm.s32 @!p0 $0x1BF5;
	p2 =	por !p2, p0  }
0x20: {  	[sflag:s8] =	ssyncset.s32 @!p0 $0xFFFFF086;
	s6 =	sadd.s32 @!p0 s3, s7;
	s7 =	simm.s32 @!p0 $0x108  }
0x21: {  	s3 =	sadd.s32 s3, s9;
	s6 =	sadd.s32 @!p0 $0x88, s6;
	s7 =	simm.s32 @p2 $0x1082  }
0x22: {  	[simem:s7], [sflag:s8] =	dma.local @!p0 [hbm:s6], $0xF7A  }
0x23: {  	s9 =	sor.u32 $0xD0000000, s2;
	s6 =	simm.s32 $0x108;
	_ =	swait.ge @!p0 [sflag:s8], $0x0  }
0x24: {  	s3 =	sadd.s32 $0x88, s3;
	s6 =	simm.s32 @!p1 $0x1082;
	[sflag:s4] =	ssyncset.s32 $0xFFFFF086  }
0x25: {  	[simem:s6], [sflag:s4] =	dma.local [hbm:s3], $0xF7A  }
0x26: {  	[smem:$0x3F9F] =	sst s1;
	(tag) =	ssettag s2;
	_ =	strace s9  }
0x27: {  	s1 =	sld [smem:$0x3FAF]  }
0x28: {  	s2 =	sld [smem:$0x3FB0]  }
0x29: {  	s4 =	sld [smem:$0x3FB2]  }
0x2a: {  	p0 =	seq.s32 s5, $0x0;
	s5 =	sld [smem:$0x3FB3]  }
0x2b: {  	s6 =	sld [smem:$0x3FB4]  }
0x2c: {  	s7 =	sld [smem:$0x3FB5]  }
0x2d: {  	s3 =	simm.s32 $0x108;
	s8 =	sld [smem:$0x3FB6]  }
0x2e: {  	s3 =	simm.s32 @!p0 $0x1082;
	s9 =	sld [smem:$0x3FB7]  }
0x2f: {  	lr =	sadd.s32 s0, s3;
	s0 =	sld [smem:$0x3FAE]  }
0x30: {  	s3 =	sld [smem:$0x3FB1]  }
0x31: {  	[smem:$0x3FBA] =	sst s10  }
0x32: {  	s10 =	sld [smem:$0x3FB8];
	_ =	sdelay $0x3  }
0x33: {  	p0 =	seq.s32 s10, $0x1;
	s10 =	sld [smem:$0x3FBA];
	_ =	sdelay $0x3  }
0x34: {  	[smem:$0x3FBA] =	sst s10  }
0x35: {  	s10 =	sld [smem:$0x3FB9];
	_ =	sdelay $0x3  }
0x36: {  	p1 =	seq.s32 s10, $0x1;
	s10 =	sld [smem:$0x3FBA];
	_ =	sdelay $0x3  }
0x37: {  	[smem:$0x3FBA] =	sst s10  }
0x38: {  	s10 =	sld [smem:$0x3FBB]  }
0x39: {  	_ = 	snop;
	(pc) =	sbr.ind lr, $3  }
0x3a: {  	_ = 	snop  }
0x3b: {  	_ = 	snop  }
0x3c: {  	p2 =	seq.s32 s10, $0x1;
	s10 =	sld [smem:$0x3FBA]  }
0x3d: {  	_ =	shalt  }
0x3e: {  	_ =	shalt  }
0x3f: {  	_ =	shalt  }
0x40: {  	_ =	shalt  }
0x41: {  	_ =	shalt  }
0x42: {  	_ =	shalt  }
0x43: {  	_ =	shalt  }
0x44: {  	_ =	shalt  }
0x45: {  	_ =	shalt  }
0x46: {  	_ =	shalt  }
0x47: {  	_ =	shalt  }
0x48: {  	_ =	shalt  }
0x49: {  	_ =	shalt  }
0x4a: {  	_ =	shalt  }
0x4b: {  	_ =	shalt  }
0x4c: {  	_ =	shalt  }
0x4d: {  	_ =	shalt  }
0x4e: {  	_ =	shalt  }
0x4f: {  	_ =	shalt  }
0x50: {  	_ =	shalt  }
0x51: {  	_ =	shalt  }
0x52: {  	_ =	shalt  }
0x53: {  	_ =	shalt  }
0x54: {  	_ =	shalt  }
0x55: {  	_ =	shalt  }
0x56: {  	_ =	shalt  }
0x57: {  	_ =	shalt  }
0x58: {  	_ =	shalt  }
0x59: {  	_ =	shalt  }
0x5a: {  	_ =	shalt  }
0x5b: {  	_ =	shalt  }
0x5c: {  	_ =	shalt  }
0x5d: {  	_ =	shalt  }
0x5e: {  	_ =	shalt  }
0x5f: {  	_ =	shalt  }
0x60: {  	_ =	shalt  }
0x61: {  	_ =	shalt  }
0x62: {  	_ =	shalt  }
0x63: {  	_ =	shalt  }
0x64: {  	_ =	shalt  }
0x65: {  	_ =	shalt  }
0x66: {  	_ =	shalt  }
0x67: {  	_ =	shalt  }
0x68: {  	_ =	shalt  }
0x69: {  	_ =	shalt  }
0x6a: {  	_ =	shalt  }
0x6b: {  	_ =	shalt  }
0x6c: {  	_ =	shalt  }
0x6d: {  	_ =	shalt  }
0x6e: {  	_ =	shalt  }
0x6f: {  	_ =	shalt  }
0x70: {  	_ =	shalt  }
0x71: {  	_ =	shalt  }
0x72: {  	_ =	shalt  }
0x73: {  	_ =	shalt  }
0x74: {  	_ =	shalt  }
0x75: {  	_ =	shalt  }
0x76: {  	_ =	shalt  }
0x77: {  	_ =	shalt  }
0x78: {  	_ =	shalt  }
0x79: {  	_ =	shalt  }
0x7a: {  	_ =	shalt  }
0x7b: {  	_ =	shalt  }
0x7c: {  	_ =	shalt  }
0x7d: {  	_ =	shalt  }
0x7e: {  	_ =	shalt  }
0x7f: {  	_ =	shalt  }
0x80: {  	_ =	shalt  }
0x81: {  	_ =	shalt  }
0x82: {  	_ =	shalt  }
0x83: {  	_ =	shalt  }
0x84: {  	_ =	shalt  }
0x85: {  	_ =	shalt  }
0x86: {  	_ =	shalt  }
0x87: {  	_ =	shalt  }
.Lfunc_end0:
.L_simem_size_0:
called_computation.1_lowered:
.L_overlay_start_0:
0x88: {  	s0 =	sld [smem:$0x3FD9]  }
0x89: {  	s1 =	sld [smem:$0x3FFE];
	_ =	sdelay $0x3  }
0x8a: {  	s0 =	sadd.s32 s1, s0  }
0x8b: {  	[smem:$0x3FC6] =	sst s0  }
0x8c: {  	_ = 	snop  }
0x8d: {  	(tm) =	ssettm $0x1  }
0x8e: {  	s15 =	sld [smem:$0x3FFB];
	_ =	sdelay $0x3  }
0x8f: {  	_ =	strace s15  }
0x90: {  	s0 =	sld [smem:$0x3FFC];
	_ =	sdelay $0x3  }
0x91: {  	_ =	strace s0  }
0x92: {  	s0 =	sld [smem:$0x3FFD];
	_ =	sdelay $0x3  }
0x93: {  	_ =	strace s0  }
0x94: {  	_ =	strace $0x8FFFFFFF  }
0x95: {  	s16 =	sld [smem:$0x3FDB];
	_ =	sdelay $0x1  }
0x96: {  	s17 =	simm.s32 $_scs_section_size  }
0x97: {  	s2 =	simm.s32 $_size__tile_overlayer_lowered;
	s3 =	simm.s32 $_tile_overlayer_lowered  }
0x98: {  	s20 =	simm.s32 $0x1BFF;
	s19 =	sshll.u32 s3, $0x1;
	s0 =	sadd.s32 s17, s16  }
0x99: {  	s4 =	simm.s32 $0x0;
	s18 =	sshll.u32 s2, $0x1;
	s2 =	sadd.s32 s19, s0  }
0x9a: {  	[timem:s4], [sflag:s20] =	dma.local [hbm:s2], s18  }
0x9b: {  	_ =	swait.ge [sflag:s20], s18  }
0x9c: {  	s1 =	ssub.s32 $0x0, s18;
	[sflag:s20] =	ssyncset.done $0x0  }
0x9d: {  	[sflag:s20] =	ssyncadd.s32 s1;
	_ =	sdelay $0x1  }
0x9e: {  	s21 =	simm.s32 $0x1B8B  }
0x9f: {  	_ =	swait.ge [sflag:s21], $0x1  }
0xa0: {  	[sflag:s21] =	ssyncset.done $0x0  }
0xa1: {  	s23 =	simm.s32 $0x1B8E;
	s22 =	sld [smem:$0x3FFE];
	[sflag:s21] =	ssyncadd.s32 $0xFFFFFFFF  }
0xa2: {  	s24 =	simm.s32 $execute0_lowered;
	[smem:$0x3FD2] =	sst s23  }
0xa3: {  	s2 =	sshll.u32 s24, $0x1;
	_ =	strace $0x80000046;
	[dreg:$0x1] =	wrdreg $0xFFFFFFFF  }
0xa4: {  	s25 =	simm.s32 $_size_execute0_lowered;
	s0 =	sadd.s32 s0, s2;
	[dreg:$0x0] =	wrdreg $0x0  }
0xa5: {  	s2 =	sshll.u32 s25, $0x1;
	[dreg:$0x2] =	wrdreg s0  }
0xa6: {  	[dreg:$0x3] =	wrdreg s2  }
0xa7: {  	[dreg:$0x4] =	wrdreg $0xC0  }
0xa8: {  	_ =	task [dreg:s4], $0x5FFFF  }
0xa9: {  	[dreg:$0x1] =	wrdreg $0xFFFFFFFF  }
0xaa: {  	[dreg:$0x0] =	wrdreg $0x60  }
0xab: {  	[dreg:$0x2] =	wrdreg s22  }
0xac: {  	[dreg:$0x3] =	wrdreg $0x9  }
0xad: {  	_ =	task.clear_ibuf [dreg:s4], $0x4FFFF;
	_ =	strace $0x90000046  }
0xae: {  	s26 =	simm.s32 $0x9;
	_ =	strace $0x80000048  }
0xaf: {  	_ =	swait.ge [sflag:s26], $0x1  }
0xb0: {  	[sflag:s26] =	ssyncadd.s32 $0xFFFFFFFF  }
0xb1: {  	_ =	strace $0x90000048  }
0xb2: {  	_ =	sfence  }
0xb3: {  	s28 =	sld [smem:$0x0];
	_ =	sdelay $0x1  }
0xb4: {  	s29 =	srdreg.scid  }
0xb5: {  	s30 =	sshll.u32 s29, $0xD;
	s31 =	sshrl.u32 s29, $0x2  }
0xb6: {  	s1 =	sand.u32 $0x1, s29;
	s2 =	sand.u32 $0x4000, s30;
	s0 =	sadd.s32 s31, s28  }
0xb7: {  	s1 =	sor.u32 s2, s1;
	s0 =	sshll.u32 s0, $0x11  }
0xb8: {  	s0 =	sor.u32 s0, s1  }
0xb9: {  	s0 =	sadd.s32 $0x8F2B, s0  }
0xba: {  	[sflag:s0] =	ssyncadd.remote.s32 $0x1  }
0xbb: {  	_ =	sfence.sel $0xFFFF  }
0xbc: {  	[dreg:$0x0] =	wrdreg $0xFFFFFFFF;
	(pc) =	sbr.abs _section_cstart, $3  }
0xbd: {  	[dreg:$0x1] =	wrdreg $0xFFFFFFFF  }
0xbe: {  	_ =	task.clear_ibuf [dreg:s4], $0x2FFFF;
	_ =	strace $0x9FFFFFFF  }
0xbf: {  	(tm) =	ssettm $0x7FFFFFFF  }
tec
execute0_lowered:
.L_overlay_start_1:
0x0: {  	(tag) =	ssettag $0x1  }
0x1: {  	s0 =	stileid.u32  }
0x2: {  	s1 =	smul.u32 $0xC, s0  }
0x3: {  	s3 =	simm.s32 $0x1A00;
	s10 =	simm.s32 $0x1;
	s2 =	smin.u32 s0, $0x4  }
0x4: {  	s6 =	simm.s32 $0x2;
	p0 =	slt.u32 s0, $0x4;
	s1 =	sadd.s32 s2, s1  }
0x5: {  	s11 =	simm.s32 $0x4;
	s3 =	simm.s32 @!p0 $0x1800;
	s2 =	sshll.u32 s1, $0x9  }
0x6: {  	s12 =	simm.s32 $0xFFFFF800;
	s13 =	simm.s32 $0xFFFFFE00;
	s1 =	sadd.s32 s3, s2  }
0x7: {  	s14 =	simm.s32 $0xFFFFFFFF;
	s18 =	simm.s32 $0x0;
	s4 =	smin.u32 s1, $0x186A0  }
0x8: {  	s15 =	simm.s32 $0x0;
	s17 =	simm.s32 $0x0;
	s9 =	ssub.s32 s4, s2  }
0x9: {  	s3 =	rddreg [dreg:$0x0];
	s16 =	smov.u32 s2;
	p0 =	sgt.s32 s9, $0x0  }
0xa: {  	s1 =	rddreg [dreg:$0x1];
	_ =	strace $0x80000047;
	s9 =	simm.s32 @!p0 $0x0  }
.Ltmp0:
0xb: {  	[sflag:s10] =	ssyncpa.u1 $0x0;
	s8 =	sand.u32 $0xA0, s9;
	(pc) =	sbr.rel .LBB2_1-.Ltmp0, $4  }
0xc: {  	s5 =	sadd.s32 $0x4E00, s3;
	[sflag:s6] =	ssyncpa.u1 $0x0;
	p0 =	sne.s32 s8, $0x0  }
0xd: {  	s9 =	sshrl.u32 s9, $0x9;
	s8 =	simm.s32 $0x3;
	s10 =	simm.s32 @!p0 $0x0  }
0xe: {  	s7 =	sadd.s32 $0x191C00, s3;
	[sflag:s8] =	ssyncpa.u1 $0x0;
	s9 =	sadd.s32 s10, s9  }
0xf: {  	v0 =	vlaneseq.u32;
	vm0 =	vmmov $0xffff;
	[sflag:s11] =	ssyncpa.u1 $0x0;
	s11 =	simm.s32 $0x0;
	s10 =	sadd.s32 $0x2, s9  }
.LBB2_7:
0x10: {  	p0 =	slt.u32 s17, $0x3  }
0x11: {  	s18 =	simm.s32 @!p0 $0x4  }
0x12: {  	_ =	swait.ge @!p0 [sflag:s18], $0x80  }
0x13: {  	s19 =	sadd.s32 $0x200, s16;
	[sflag:s18] =	ssyncset.done @!p0 $0x0  }
0x14: {  	s20 =	smov.u32 s2;
	[sflag:s18] =	ssyncadd.s32 @!p0 $0xFFFFFF80;
	p0 =	slt.s32 s19, s4  }
0x15: {  	s20 =	smov.u32 @p0 s19;
	p0 =	sne.s32 s17, s10  }
.Ltmp1:
0x16: {  	_ = 	snop;
	(pc) =	sbr.rel @!p0 .LBB2_8-.Ltmp1, $4  }
0x17: {  	_ = 	snop  }
0x18: {  	s31 =	sadd.s32 $0x1, s17;
	s12 =	sadd.s32 $0x800, s12  }
0x19: {  	s13 =	sadd.s32 $0x200, s13;
	s14 =	sadd.s32 $0x1, s14;
	s18 =	smov.u32 s15  }
0x1a: {  	s15 =	smov.u32 s16;
	s17 =	smov.u32 s31;
	s16 =	smov.u32 s20  }
.LBB2_1:
0x1b: {  	p0 =	sge.u32 s17, s9  }
0x1c: {  	s19 =	smulhi.u32 @!p0 $0xAAAAAAAB, s17;
	_ =	sdelay $0x1  }
0x1d: {  	s19 =	sshrl.u32 @!p0 s19, $0x1  }
0x1e: {  	s19 =	smul.u32 @!p0 $0x3, s19;
	_ =	sdelay $0x1  }
0x1f: {  	s31 =	sadd.s32 $0xFFFFFFFF, s17;
	s20 =	sshrl.u32 @!p0 s16, $0x3;
	s19 =	ssub.s32 @!p0 s17, s19  }
0x20: {  	s21 =	sand.u32 @!p0 $0x7, s16;
	s20 =	sadd.s32 @!p0 s5, s20;
	s19 =	sshll.u32 @!p0 s19, $0x9  }
0x21: {  	[tilespmem:s19], [sflag:$0x2] =	stream.linear.gather @!p0 [hbm4b:s20+s21], $0x200, $0x38;
	[tilespmem:$0xB00] =	vst v63  }
0x22: {  	p0 =	sge.u32 s31, s9  }
.Ltmp2:
0x23: {  	_ = 	snop;
	(pc) =	sbr.rel @p0 .LBB2_5-.Ltmp2, $1  }
0x24: {  	_ =	sdelay $0x3  }
0x25: {  	s19 =	smulhi.u32 $0xAAAAAAAB, s14;
	_ =	sdelay $0x1  }
0x26: {  	s19 =	sshrl.u32 s19, $0x1  }
0x27: {  	s19 =	smul.u32 $0xFFFFE800, s19;
	_ =	sdelay $0x1  }
0x28: {  	_ =	swait.ge [sflag:s6], $0x200;
	s19 =	sshra.s32 s19, $0x2  }
0x29: {  	[sflag:s6] =	ssyncset.done $0x0;
	s21 =	sadd.s32 s19, s13  }
0x2a: {  	[sflag:s6] =	ssyncadd.s32 $0xFFFFFE00;
	(ifvalue) =	ssetifvalue $0x7FFFFFFF;
	v1 =	vld.msk [tilespmem:s21+$0x0 ss:$0x1], $0xffff;
	_ =	sdelay $0x2  }
0x2b: {  	s19 =	sadd.s32 $0x10, s21  }
0x2c: {  	s22 =	ssub.s32 $0x186A0, s15;
	v3 =	vld.msk [tilespmem:s19+$0x0 ss:$0x1], $0xffff  }
0x2d: {  	p0 =	slt.s32 s22, $0x200;
	vm1 =	veq.s32 v1, $0x80000000;
	v2 =	vand.u32 $0x1F, v1;
	v1 =	vshrl.u32 v1, $0x5  }
0x2e: {  	s22 =	simm.s32 @!p0 $0x200;
	v2 =	vsel vm1, $0xFFFFFFFF, v2;
	v1 =	vand.u32 $0x1FFF, v1  }
0x2f: {  	p0 =	sgt.s32 s22, $0x0;
	s20 =	smov.u32 s22;
	v1 =	vsel vm1, $0xFFFFFFFF, v1;
	v4 =	vshrl.u32 v2, $0x3  }
0x30: {  	s20 =	simm.s32 @!p0 $0x0;
	v6 =	vshll.u32 v2, $0x7;
	v4 =	vmul.u32 $0xA000, v4;
	v5 =	vshll.u32 v1, $0x3  }
0x31: {  	s20 =	smin.u32 s20, $0x10;
	vm1 =	veq.s32 v3, $0x80000000;
	v1 =	vshll.u32 v1, $0x2;
	v5 =	vand.u32 $0xFFFFFC00, v5  }
0x32: {  	v4 =	vadd.s32 v4, v5;
	v5 =	vand.u32 $0x200, v6;
	v6 =	vmov s20  }
0x33: {  	v1 =	vand.u32 $0x1FC, v1;
	v4 =	vor.u32 v5, v4;
	vm2 =	vgt.u32 v6, v0  }
0x34: {  	v1 =	vor.u32 v1, v4;
	v4 =	vand.u32 $0x1F, v3;
	v3 =	vshrl.u32 v3, $0x5  }
0x35: {  	s20 =	sadd.s32 $0x10, s19;
	v5 =	vshrl.u32 v1, $0x2;
	v1 =	vsel vm1, $0xFFFFFFFF, v4;
	v3 =	vand.u32 $0x1FFF, v3  }
0x36: {  	s22 =	sadd.s32 $0xFFFFFFF0, s22;
	v4 =	vnsel vm2, $0x7FFFFFFF, v5;
	v5 =	vld.msk [tilespmem:s20+$0x0 ss:$0x1], $0xffff;
	v3 =	vsel vm1, $0xFFFFFFFF, v3;
	v6 =	vshrl.u32 v1, $0x3  }
0x37: {  	p0 =	sgt.s32 s22, $0x0;
	s24 =	smov.u32 s22;
	v6 =	vmul.u32 $0xA000, v6;
	v7 =	vshll.u32 v3, $0x3  }
0x38: {  	s23 =	sshrl.u32 s12, $0x2;
	s24 =	simm.s32 @!p0 $0x0;
	v2 =	vand.u32 $0x3, v2;
	v8 =	vshll.u32 v1, $0x7;
	v7 =	vand.u32 $0xFFFFFC00, v7  }
0x39: {  	s23 =	sand.u32 $0x200, s23;
	s31 =	smin.u32 s24, $0x10;
	[tilespmem:s21+$0x0] =	vst v2;
	v3 =	vshll.u32 v3, $0x2;
	v2 =	vadd.s32 v6, v7;
	v6 =	vand.u32 $0x200, v8  }
0x3a: {  	s21 =	sadd.s32 $0x600, s23;
	v3 =	vand.u32 $0x1FC, v3;
	v7 =	vmov s31;
	v2 =	vor.u32 v6, v2  }
0x3b: {  	s23 =	simm.s32 $0x20;
	s24 =	sadd.s32 $0x10, s20;
	(ifvalue) =	ssetifvalue $0x7FFFFFFF;
	vm1 =	vgt.u32 v7, v0;
	vm2 =	veq.s32 v5, $0x80000000;
	v2 =	vor.u32 v3, v2  }
0x3c: {  	[tilespmem:s21], [sflag:$0x3] =	stream.indirect_vreg.gather [hbm4b:s3+s11], $0x1, v4, vm0, $0x4038;
	v3 =	vand.u32 $0x1F, v5;
	v4 =	vshrl.u32 v5, $0x5;
	v2 =	vshrl.u32 v2, $0x2;
	[tilespmem:$0xB00] =	vst v63  }
.LBB2_3:
0x3d: {  	v5 =	vld.msk [tilespmem:s24+$0x0 ss:$0x1], $0xffff;
	v3 =	vsel vm2, $0xFFFFFFFF, v3;
	v4 =	vand.u32 $0x1FFF, v4;
	v2 =	vnsel vm1, $0x7FFFFFFF, v2  }
0x3e: {  	s23 =	sadd.s32 $0x10, s23;
	s22 =	sadd.s32 $0xFFFFFFF0, s22;
	v4 =	vsel vm2, $0xFFFFFFFF, v4;
	v6 =	vshrl.u32 v3, $0x3  }
0x3f: {  	p0 =	slt.u32 s23, $0x1F0;
	p1 =	sgt.s32 s22, $0x0;
	s25 =	smov.u32 s22;
	v6 =	vmul.u32 $0xA000, v6;
	v7 =	vshll.u32 v4, $0x3  }
.Ltmp3:
0x40: {  	v9 =	vand.u32 $0x3, v1;
	v8 =	vshll.u32 v3, $0x7;
	v1 =	vmovc v3;
	s25 =	simm.s32 @!p1 $0x0;
	v7 =	vand.u32 $0xFFFFFC00, v7;
	(pc) =	sbr.rel @p0 .LBB2_3-.Ltmp3, $4  }
0x41: {  	s21 =	sadd.s32 $0x10, s21;
	v4 =	vshll.u32 v4, $0x2;
	s25 =	smin.u32 s25, $0x10;
	v3 =	vadd.s32 v6, v7;
	v6 =	vand.u32 $0x200, v8;
	[tilespmem:s19+$0x0] =	vst v9;
	(ifvalue) =	ssetifvalue $0x7FFFFFFF  }
0x42: {  	v4 =	vand.u32 $0x1FC, v4;
	v7 =	vmov s25;
	v3 =	vor.u32 v6, v3;
	[tilespmem:s21], [sflag:$0x3] =	stream.indirect_vreg.gather [hbm4b:s3+s11], $0x1, v2, vm0, $0x4038;
	[tilespmem:$0xB00] =	vst v63  }
0x43: {  	s19 =	smov.u32 s20;
	s20 =	smov.u32 s24;
	vm2 =	veq.s32 v5, $0x80000000;
	vm1 =	vgt.u32 v7, v0;
	v2 =	vor.u32 v4, v3  }
0x44: {  	s24 =	sadd.s32 $0x10, s24;
	v3 =	vand.u32 $0x1F, v5;
	v4 =	vshrl.u32 v5, $0x5;
	v2 =	vshrl.u32 v2, $0x2  }
0x45: {  	v3 =	vsel vm2, $0xFFFFFFFF, v3;
	v4 =	vand.u32 $0x1FFF, v4  }
0x46: {  	v4 =	vsel vm2, $0xFFFFFFFF, v4;
	v5 =	vshrl.u32 v3, $0x3  }
0x47: {  	s22 =	sadd.s32 $0xFFFFFFF0, s22;
	v5 =	vmul.u32 $0xA000, v5;
	v6 =	vshll.u32 v4, $0x3  }
0x48: {  	p0 =	sgt.s32 s22, $0x0;
	v7 =	vshll.u32 v3, $0x7;
	v6 =	vand.u32 $0xFFFFFC00, v6  }
0x49: {  	s22 =	simm.s32 @!p0 $0x0;
	v62 =	vand.u32 $0x200, v7;
	v4 =	vshll.u32 v4, $0x2;
	v5 =	vadd.s32 v5, v6  }
0x4a: {  	s22 =	smin.u32 s22, $0x10;
	v4 =	vand.u32 $0x1FC, v4;
	v5 =	vor.u32 v62, v5  }
0x4b: {  	v2 =	vnsel vm1, $0x7FFFFFFF, v2;
	v63 =	vmov s22;
	v4 =	vor.u32 v4, v5  }
0x4c: {  	vm1 =	vgt.u32 v63, v0;
	v4 =	vshrl.u32 v4, $0x2  }
0x4d: {  	v4 =	vnsel vm1, $0x7FFFFFFF, v4  }
0x4e: {  	v1 =	vand.u32 $0x3, v1  }
0x4f: {  	s31 =	sadd.s32 $0x10, s21;
	[tilespmem:s19+$0x0] =	vst v1;
	(ifvalue) =	ssetifvalue $0x7FFFFFFF  }
0x50: {  	v1 =	vand.u32 $0x3, v3;
	[tilespmem:s31], [sflag:$0x3] =	stream.indirect_vreg.gather [hbm4b:s3+s11], $0x1, v2, vm0, $0x4038;
	[tilespmem:$0xB00] =	vst v63  }
0x51: {  	s19 =	sadd.s32 $0x10, s31;
	[tilespmem:s20+$0x0] =	vst v1;
	(ifvalue) =	ssetifvalue $0x7FFFFFFF  }
0x52: {  	[tilespmem:s19], [sflag:$0x3] =	stream.indirect_vreg.gather [hbm4b:s3+s11], $0x1, v4, vm0, $0x4038;
	[tilespmem:$0xB00] =	vst v63  }
.LBB2_5:
0x53: {  	p0 =	slt.u32 s17, $0x2  }
0x54: {  	p1 =	sge.u32 @!p0 s17, s10  }
0x55: {  	p0 =	por p0, p1  }
.Ltmp4:
0x56: {  	_ = 	snop;
	(pc) =	sbr.rel @p0 .LBB2_7-.Ltmp4, $1  }
0x57: {  	_ =	sdelay $0x3  }
0x58: {  	s19 =	sadd.s32 $0xFFFFFFFE, s17  }
0x59: {  	s20 =	smulhi.u32 $0xAAAAAAAB, s19  }
0x5a: {  	_ =	swait.ge [sflag:s8], $0x200  }
0x5b: {  	s21 =	sand.u32 $0x1, s17;
	[sflag:s8] =	ssyncset.done $0x0;
	s20 =	sshrl.u32 s20, $0x1  }
0x5c: {  	s28 =	sshll.u32 s21, $0x9;
	[sflag:s8] =	ssyncadd.s32 $0xFFFFFE00;
	s20 =	smul.u32 $0x3, s20  }
0x5d: {  	v1 =	vld [tilespmem:s28+$0x600]  }
0x5e: {  	v3 =	vld [tilespmem:s28+$0x680];
	s20 =	ssub.s32 s19, s20  }
0x5f: {  	v6 =	vld [tilespmem:s28+$0x700];
	s20 =	sshll.u32 s20, $0x9  }
0x60: {  	v2 =	vld [tilespmem:s20+$0x0]  }
0x61: {  	v4 =	vld [tilespmem:s20+$0x80]  }
0x62: {  	v5 =	vld [tilespmem:s20+$0x100]  }
0x63: {  	v7 =	vld [tilespmem:s20+$0x180];
	_ =	sdelay $0x1  }
0x64: {  	v8 =	vld [tilespmem:s28+$0x780]  }
0x65: {  	v2 =	vshll.u32 v2, $0x3;
	v4 =	vshll.u32 v4, $0x3  }
0x66: {  	v1 =	vshrl.u32 v1, v2;
	v2 =	vshrl.u32 v3, v4;
	v3 =	vshll.u32 v5, $0x3  }
0x67: {  	v21 =	vshll.u32 v7, $0x3;
	v2 =	vshll.u32 v2, $0x8;
	v3 =	vshrl.u32 v6, v3  }
0x68: {  	v1 =	vand.u32 $0xFF, v1;
	v2 =	vand.u32 $0xFF00, v2;
	v3 =	vshll.u32 v3, $0x10  }
0x69: {  	v1 =	vor.u32 v1, v2;
	v2 =	vand.u32 $0xFF0000, v3;
	v3 =	vshrl.u32 v8, v21  }
0x6a: {  	v1 =	vor.u32 v2, v1;
	v2 =	vshll.u32 v3, $0x18  }
0x6b: {  	s21 =	sshll.u32 s21, $0x7;
	v1 =	vor.u32 v2, v1  }
0x6c: {  	[tilespmem:s21+$0xA00] =	vst v1  }
0x6d: {  	v1 =	vld [tilespmem:s28+$0x610]  }
0x6e: {  	v2 =	vld [tilespmem:s20+$0x10]  }
0x6f: {  	v3 =	vld [tilespmem:s28+$0x690]  }
0x70: {  	v22 =	vld [tilespmem:s20+$0x90]  }
0x71: {  	v23 =	vld [tilespmem:s20+$0x110]  }
0x72: {  	v24 =	vld [tilespmem:s28+$0x710]  }
0x73: {  	v25 =	vld [tilespmem:s20+$0x190];
	_ =	sdelay $0x1  }
0x74: {  	v26 =	vld [tilespmem:s28+$0x790]  }
0x75: {  	v2 =	vshll.u32 v2, $0x3;
	v4 =	vshll.u32 v22, $0x3  }
0x76: {  	v1 =	vshrl.u32 v1, v2;
	v2 =	vshrl.u32 v3, v4;
	v3 =	vshll.u32 v23, $0x3  }
0x77: {  	v27 =	vshll.u32 v25, $0x3;
	v2 =	vshll.u32 v2, $0x8;
	v3 =	vshrl.u32 v24, v3  }
0x78: {  	v1 =	vand.u32 $0xFF, v1;
	v2 =	vand.u32 $0xFF00, v2;
	v3 =	vshll.u32 v3, $0x10  }
0x79: {  	v1 =	vor.u32 v1, v2;
	v2 =	vand.u32 $0xFF0000, v3;
	v3 =	vshrl.u32 v26, v27  }
0x7a: {  	v1 =	vor.u32 v2, v1;
	v2 =	vshll.u32 v3, $0x18  }
0x7b: {  	v1 =	vor.u32 v2, v1  }
0x7c: {  	[tilespmem:s21+$0xA10] =	vst v1  }
0x7d: {  	v1 =	vld [tilespmem:s28+$0x620]  }
0x7e: {  	v2 =	vld [tilespmem:s20+$0x20]  }
0x7f: {  	v3 =	vld [tilespmem:s28+$0x6A0]  }
0x80: {  	v28 =	vld [tilespmem:s20+$0xA0]  }
0x81: {  	v29 =	vld [tilespmem:s20+$0x120]  }
0x82: {  	v30 =	vld [tilespmem:s28+$0x720]  }
0x83: {  	v31 =	vld [tilespmem:s20+$0x1A0];
	_ =	sdelay $0x1  }
0x84: {  	v32 =	vld [tilespmem:s28+$0x7A0]  }
0x85: {  	v2 =	vshll.u32 v2, $0x3;
	v4 =	vshll.u32 v28, $0x3  }
0x86: {  	v1 =	vshrl.u32 v1, v2;
	v2 =	vshrl.u32 v3, v4;
	v3 =	vshll.u32 v29, $0x3  }
0x87: {  	v33 =	vshll.u32 v31, $0x3;
	v2 =	vshll.u32 v2, $0x8;
	v3 =	vshrl.u32 v30, v3  }
0x88: {  	v1 =	vand.u32 $0xFF, v1;
	v2 =	vand.u32 $0xFF00, v2;
	v3 =	vshll.u32 v3, $0x10  }
0x89: {  	v1 =	vor.u32 v1, v2;
	v2 =	vand.u32 $0xFF0000, v3;
	v3 =	vshrl.u32 v32, v33  }
0x8a: {  	v1 =	vor.u32 v2, v1;
	v2 =	vshll.u32 v3, $0x18  }
0x8b: {  	v1 =	vor.u32 v2, v1  }
0x8c: {  	[tilespmem:s21+$0xA20] =	vst v1  }
0x8d: {  	v1 =	vld [tilespmem:s28+$0x630]  }
0x8e: {  	v2 =	vld [tilespmem:s20+$0x30]  }
0x8f: {  	v3 =	vld [tilespmem:s28+$0x6B0]  }
0x90: {  	v34 =	vld [tilespmem:s20+$0xB0]  }
0x91: {  	v35 =	vld [tilespmem:s20+$0x130]  }
0x92: {  	v36 =	vld [tilespmem:s28+$0x730]  }
0x93: {  	v37 =	vld [tilespmem:s20+$0x1B0];
	_ =	sdelay $0x1  }
0x94: {  	v38 =	vld [tilespmem:s28+$0x7B0]  }
0x95: {  	v2 =	vshll.u32 v2, $0x3;
	v4 =	vshll.u32 v34, $0x3  }
0x96: {  	v1 =	vshrl.u32 v1, v2;
	v2 =	vshrl.u32 v3, v4;
	v3 =	vshll.u32 v35, $0x3  }
0x97: {  	v39 =	vshll.u32 v37, $0x3;
	v2 =	vshll.u32 v2, $0x8;
	v3 =	vshrl.u32 v36, v3  }
0x98: {  	v1 =	vand.u32 $0xFF, v1;
	v2 =	vand.u32 $0xFF00, v2;
	v3 =	vshll.u32 v3, $0x10  }
0x99: {  	v1 =	vor.u32 v1, v2;
	v2 =	vand.u32 $0xFF0000, v3;
	v3 =	vshrl.u32 v38, v39  }
0x9a: {  	v1 =	vor.u32 v2, v1;
	v2 =	vshll.u32 v3, $0x18  }
0x9b: {  	v1 =	vor.u32 v2, v1  }
0x9c: {  	[tilespmem:s21+$0xA30] =	vst v1  }
0x9d: {  	v1 =	vld [tilespmem:s28+$0x640]  }
0x9e: {  	v2 =	vld [tilespmem:s20+$0x40]  }
0x9f: {  	v3 =	vld [tilespmem:s28+$0x6C0]  }
0xa0: {  	v40 =	vld [tilespmem:s20+$0xC0]  }
0xa1: {  	v41 =	vld [tilespmem:s20+$0x140]  }
0xa2: {  	v42 =	vld [tilespmem:s28+$0x740]  }
0xa3: {  	v43 =	vld [tilespmem:s20+$0x1C0];
	_ =	sdelay $0x1  }
0xa4: {  	v44 =	vld [tilespmem:s28+$0x7C0]  }
0xa5: {  	v2 =	vshll.u32 v2, $0x3;
	v4 =	vshll.u32 v40, $0x3  }
0xa6: {  	v1 =	vshrl.u32 v1, v2;
	v2 =	vshrl.u32 v3, v4;
	v3 =	vshll.u32 v41, $0x3  }
0xa7: {  	v45 =	vshll.u32 v43, $0x3;
	v2 =	vshll.u32 v2, $0x8;
	v3 =	vshrl.u32 v42, v3  }
0xa8: {  	v1 =	vand.u32 $0xFF, v1;
	v2 =	vand.u32 $0xFF00, v2;
	v3 =	vshll.u32 v3, $0x10  }
0xa9: {  	v1 =	vor.u32 v1, v2;
	v2 =	vand.u32 $0xFF0000, v3;
	v3 =	vshrl.u32 v44, v45  }
0xaa: {  	v1 =	vor.u32 v2, v1;
	v2 =	vshll.u32 v3, $0x18  }
0xab: {  	v1 =	vor.u32 v2, v1  }
0xac: {  	[tilespmem:s21+$0xA40] =	vst v1  }
0xad: {  	v1 =	vld [tilespmem:s28+$0x650]  }
0xae: {  	v2 =	vld [tilespmem:s20+$0x50]  }
0xaf: {  	v3 =	vld [tilespmem:s28+$0x6D0]  }
0xb0: {  	v46 =	vld [tilespmem:s20+$0xD0]  }
0xb1: {  	v47 =	vld [tilespmem:s20+$0x150]  }
0xb2: {  	v48 =	vld [tilespmem:s28+$0x750]  }
0xb3: {  	v49 =	vld [tilespmem:s20+$0x1D0];
	_ =	sdelay $0x1  }
0xb4: {  	v50 =	vld [tilespmem:s28+$0x7D0]  }
0xb5: {  	v2 =	vshll.u32 v2, $0x3;
	v4 =	vshll.u32 v46, $0x3  }
0xb6: {  	v1 =	vshrl.u32 v1, v2;
	v2 =	vshrl.u32 v3, v4;
	v3 =	vshll.u32 v47, $0x3  }
0xb7: {  	v51 =	vshll.u32 v49, $0x3;
	v2 =	vshll.u32 v2, $0x8;
	v3 =	vshrl.u32 v48, v3  }
0xb8: {  	v1 =	vand.u32 $0xFF, v1;
	v2 =	vand.u32 $0xFF00, v2;
	v3 =	vshll.u32 v3, $0x10  }
0xb9: {  	v1 =	vor.u32 v1, v2;
	v2 =	vand.u32 $0xFF0000, v3;
	v3 =	vshrl.u32 v50, v51  }
0xba: {  	v1 =	vor.u32 v2, v1;
	v2 =	vshll.u32 v3, $0x18  }
0xbb: {  	v1 =	vor.u32 v2, v1  }
0xbc: {  	[tilespmem:s21+$0xA50] =	vst v1  }
0xbd: {  	v1 =	vld [tilespmem:s28+$0x660]  }
0xbe: {  	v2 =	vld [tilespmem:s20+$0x60]  }
0xbf: {  	v3 =	vld [tilespmem:s28+$0x6E0]  }
0xc0: {  	v52 =	vld [tilespmem:s20+$0xE0]  }
0xc1: {  	v53 =	vld [tilespmem:s20+$0x160]  }
0xc2: {  	v54 =	vld [tilespmem:s28+$0x760]  }
0xc3: {  	v55 =	vld [tilespmem:s20+$0x1E0];
	_ =	sdelay $0x1  }
0xc4: {  	v56 =	vld [tilespmem:s28+$0x7E0]  }
0xc5: {  	v2 =	vshll.u32 v2, $0x3;
	v4 =	vshll.u32 v52, $0x3  }
0xc6: {  	v1 =	vshrl.u32 v1, v2;
	v2 =	vshrl.u32 v3, v4;
	v3 =	vshll.u32 v53, $0x3  }
0xc7: {  	v57 =	vshll.u32 v55, $0x3;
	v2 =	vshll.u32 v2, $0x8;
	v3 =	vshrl.u32 v54, v3  }
0xc8: {  	v1 =	vand.u32 $0xFF, v1;
	v2 =	vand.u32 $0xFF00, v2;
	v3 =	vshll.u32 v3, $0x10  }
0xc9: {  	v1 =	vor.u32 v1, v2;
	v2 =	vand.u32 $0xFF0000, v3;
	v3 =	vshrl.u32 v56, v57  }
0xca: {  	v1 =	vor.u32 v2, v1;
	v2 =	vshll.u32 v3, $0x18  }
0xcb: {  	v1 =	vor.u32 v2, v1  }
0xcc: {  	[tilespmem:s21+$0xA60] =	vst v1  }
0xcd: {  	v1 =	vld [tilespmem:s28+$0x670]  }
0xce: {  	v2 =	vld [tilespmem:s20+$0x70]  }
0xcf: {  	v3 =	vld [tilespmem:s28+$0x6F0]  }
0xd0: {  	v58 =	vld [tilespmem:s20+$0xF0]  }
0xd1: {  	v59 =	vld [tilespmem:s20+$0x170]  }
0xd2: {  	v60 =	vld [tilespmem:s28+$0x770]  }
0xd3: {  	v61 =	vld [tilespmem:s20+$0x1F0];
	_ =	sdelay $0x1  }
0xd4: {  	v62 =	vld [tilespmem:s28+$0x7F0]  }
0xd5: {  	v2 =	vshll.u32 v2, $0x3;
	v4 =	vshll.u32 v58, $0x3  }
0xd6: {  	v1 =	vshrl.u32 v1, v2;
	v2 =	vshrl.u32 v3, v4;
	v3 =	vshll.u32 v59, $0x3  }
0xd7: {  	v63 =	vshll.u32 v61, $0x3;
	v3 =	vshrl.u32 v60, v3;
	v2 =	vshll.u32 v2, $0x8  }
0xd8: {  	v1 =	vand.u32 $0xFF, v1;
	v2 =	vand.u32 $0xFF00, v2;
	v3 =	vshll.u32 v3, $0x10  }
.Ltmp5:
0xd9: {  	v1 =	vor.u32 v1, v2;
	v2 =	vshrl.u32 v62, v63;
	v3 =	vand.u32 $0xFF0000, v3;
	(pc) =	sbr.rel .LBB2_7-.Ltmp5, $4  }
0xda: {  	v1 =	vor.u32 v3, v1;
	v2 =	vshll.u32 v2, $0x18  }
0xdb: {  	s29 =	sshrl.u32 s18, $0x2;
	s30 =	sshrl.u32 s18, $0x5;
	v1 =	vor.u32 v2, v1  }
0xdc: {  	s18 =	sadd.s32 s30, s7;
	s31 =	sor.u32 $0xA00, s21;
	s19 =	sand.u32 $0x7, s29;
	[tilespmem:s21+$0xA70] =	vst v1  }
0xdd: {  	[hbm4b:s18+s19] =	stream.linear.scatter [tilespmem:s31], [sflag:$0x4], $0x80, $0x38;
	[tilespmem:$0xB00] =	vst v63  }
.LBB2_8:
0xde: {  	_ =	sfence.sel $0x180000  }
0xdf: {  	s2 =	simm.s32 $0x2;
	[bflag:$0x0] =	sbarrier.arrive $0xFFFF  }
0xe0: {  	s29 =	simm.s32 $0x3;
	[sflag:s2] =	ssyncpa.u1 $0x1  }
0xe1: {  	s30 =	simm.s32 $0x4;
	[sflag:s29] =	ssyncpa.u1 $0x1  }
0xe2: {  	s31 =	simm.s32 $0x1;
	[sflag:s30] =	ssyncpa.u1 $0x1  }
0xe3: {  	[sflag:s31] =	ssyncpa.u1 $0x1  }
0xe4: {  	p0 =	sne.s32 s0, $0x0;
	_ =	strace $0x90000047  }
0xe5: {  	s0 =	sadd.s32 @!p0 $0x100000, s1;
	[bflag:$0x2] =	sbarrier.arrive $0xFFFF  }
0xe6: {  	[sflag:s0] =	ssyncadd.tile.s32 @!p0 $0x1;
	_ =	shalt  }
.Lfunc_end2:
_tile_overlayer_lowered:
.L_overlay_start_2:
0xe7: {  	(tag) =	ssettag $0x2  }
0xe8: {  	s0 =	rddreg [dreg:$0x0];
	s2 =	stileid.u32  }
0xe9: {  	s1 =	rddreg [dreg:$0x1];
	p0 =	sne.s32 s2, $0x0  }
0xea: {  	s3 =	rddreg [dreg:$0x2];
	[bflag:$0x3] =	sbarrier.arrive $0xFFFF;
	s2 =	simm.s32 @!p0 $0x1C01  }
0xeb: {  	[timem:s3], [sflag:s2] =	dma.local @!p0 [hbm:s0], s1  }
0xec: {  	s0 =	simm.s32 @!p0 $0x1  }
0xed: {  	_ =	swait.ge @!p0 [sflag:s0], s1  }
0xee: {  	s1 =	ssub.s32 @!p0 $0x0, s1;
	[sflag:s0] =	ssyncset.done @!p0 $0x0  }
0xef: {  	[sflag:s0] =	ssyncadd.s32 @!p0 s1  }
0xf0: {  	[bflag:$0x3] =	sbarrier.arrive $0xFFFF  }
0xf1: {  	_ =	shalt  }

// kernel: gather_offload_async_start.2
scs
__scs_entry_jumppad:
0x0: {  	(pc) =	sbr.rel $0x88, $3  }
0x1: {  	(tag) =	ssettag $0x0;
	lr =	simm.s32 $0x1  }
0x2: {  	[smem:$0x3F9F] =	sst lr;
	_ =	strace $0xD0000000  }
0x3: {  	_ = 	snop  }
0x4: {  	_ = 	snop  }
0x5: {  	_ = 	snop  }
0x6: {  	_ = 	snop  }
0x7: {  	_ = 	snop  }
__scs_overlays_trampoline_lowered:
0x8: {  	[smem:$0x3FAE] =	sst s0  }
0x9: {  	[smem:$0x3FAF] =	sst s1  }
0xa: {  	[smem:$0x3FB0] =	sst s2  }
0xb: {  	[smem:$0x3FB1] =	sst s3  }
0xc: {  	[smem:$0x3FB2] =	sst s4  }
0xd: {  	[smem:$0x3FB3] =	sst s5  }
0xe: {  	[smem:$0x3FB4] =	sst s6  }
0xf: {  	[smem:$0x3FB5] =	sst s7  }
0x10: {  	[smem:$0x3FB6] =	sst s8  }
0x11: {  	[smem:$0x3FB7] =	sst s9;
	s0 =	simm.s32 @!p0 $0x0  }
0x12: {  	s1 =	sld [smem:$0x3F9D];
	s0 =	simm.s32 @p0 $0x1  }
0x13: {  	[smem:$0x3FB8] =	sst s0;
	s0 =	simm.s32 @!p1 $0x0  }
0x14: {  	s2 =	sld [smem:$0x3F9C];
	s0 =	simm.s32 @p1 $0x1  }
0x15: {  	[smem:$0x3FB9] =	sst s0;
	s0 =	simm.s32 @!p2 $0x0  }
0x16: {  	s3 =	sld [smem:$0x3FDB];
	s0 =	simm.s32 @p2 $0x1  }
0x17: {  	s4 =	simm.s32 $0x1BF5;
	[smem:$0x3FBB] =	sst s0  }
0x18: {  	s0 =	sld [smem:$0x3F9E];
	_ =	swait.ge [sflag:s4], $0x0  }
0x19: {  	s7 =	sld [smem:$0x3F9F]  }
0x1a: {  	s8 =	sadd.s32 $0xFFFFE003, lr  }
0x1b: {  	s9 =	sadd.s32 $0xFFFFFEF7, lr;
	s5 =	simm.s32 $0xFFFFFFFF;
	p2 =	slt.u32 s8, $0xFFFFF086  }
0x1c: {  	p1 =	slt.u32 s9, $0xF7A;
	s5 =	simm.s32 @!p2 $0x0  }
0x1d: {  	s5 =	simm.s32 @p1 $0x1;
	p0 =	seq.s32 s7, s2  }
0x1e: {  	s7 =	smul.u32 @!p0 $0xF7A, s2;
	p2 =	seq.s32 @!p0 s5, $0x0  }
0x1f: {  	s9 =	smul.u32 $0xF7A, s1;
	s8 =	simm.s32 @!p0 $0x1BF5;
	p2 =	por !p2, p0  }
0x20: {  	[sflag:s8] =	ssyncset.s32 @!p0 $0xFFFFF086;
	s6 =	sadd.s32 @!p0 s3, s7;
	s7 =	simm.s32 @!p0 $0x108  }
0x21: {  	s3 =	sadd.s32 s3, s9;
	s6 =	sadd.s32 @!p0 $0x88, s6;
	s7 =	simm.s32 @p2 $0x1082  }
0x22: {  	[simem:s7], [sflag:s8] =	dma.local @!p0 [hbm:s6], $0xF7A  }
0x23: {  	s9 =	sor.u32 $0xD0000000, s2;
	s6 =	simm.s32 $0x108;
	_ =	swait.ge @!p0 [sflag:s8], $0x0  }
0x24: {  	s3 =	sadd.s32 $0x88, s3;
	s6 =	simm.s32 @!p1 $0x1082;
	[sflag:s4] =	ssyncset.s32 $0xFFFFF086  }
0x25: {  	[simem:s6], [sflag:s4] =	dma.local [hbm:s3], $0xF7A  }
0x26: {  	[smem:$0x3F9F] =	sst s1;
	(tag) =	ssettag s2;
	_ =	strace s9  }
0x27: {  	s1 =	sld [smem:$0x3FAF]  }
0x28: {  	s2 =	sld [smem:$0x3FB0]  }
0x29: {  	s4 =	sld [smem:$0x3FB2]  }
0x2a: {  	p0 =	seq.s32 s5, $0x0;
	s5 =	sld [smem:$0x3FB3]  }
0x2b: {  	s6 =	sld [smem:$0x3FB4]  }
0x2c: {  	s7 =	sld [smem:$0x3FB5]  }
0x2d: {  	s3 =	simm.s32 $0x108;
	s8 =	sld [smem:$0x3FB6]  }
0x2e: {  	s3 =	simm.s32 @!p0 $0x1082;
	s9 =	sld [smem:$0x3FB7]  }
0x2f: {  	lr =	sadd.s32 s0, s3;
	s0 =	sld [smem:$0x3FAE]  }
0x30: {  	s3 =	sld [smem:$0x3FB1]  }
0x31: {  	[smem:$0x3FBA] =	sst s10  }
0x32: {  	s10 =	sld [smem:$0x3FB8];
	_ =	sdelay $0x3  }
0x33: {  	p0 =	seq.s32 s10, $0x1;
	s10 =	sld [smem:$0x3FBA];
	_ =	sdelay $0x3  }
0x34: {  	[smem:$0x3FBA] =	sst s10  }
0x35: {  	s10 =	sld [smem:$0x3FB9];
	_ =	sdelay $0x3  }
0x36: {  	p1 =	seq.s32 s10, $0x1;
	s10 =	sld [smem:$0x3FBA];
	_ =	sdelay $0x3  }
0x37: {  	[smem:$0x3FBA] =	sst s10  }
0x38: {  	s10 =	sld [smem:$0x3FBB]  }
0x39: {  	_ = 	snop;
	(pc) =	sbr.ind lr, $3  }
0x3a: {  	_ = 	snop  }
0x3b: {  	_ = 	snop  }
0x3c: {  	p2 =	seq.s32 s10, $0x1;
	s10 =	sld [smem:$0x3FBA]  }
0x3d: {  	_ =	shalt  }
0x3e: {  	_ =	shalt  }
0x3f: {  	_ =	shalt  }
0x40: {  	_ =	shalt  }
0x41: {  	_ =	shalt  }
0x42: {  	_ =	shalt  }
0x43: {  	_ =	shalt  }
0x44: {  	_ =	shalt  }
0x45: {  	_ =	shalt  }
0x46: {  	_ =	shalt  }
0x47: {  	_ =	shalt  }
0x48: {  	_ =	shalt  }
0x49: {  	_ =	shalt  }
0x4a: {  	_ =	shalt  }
0x4b: {  	_ =	shalt  }
0x4c: {  	_ =	shalt  }
0x4d: {  	_ =	shalt  }
0x4e: {  	_ =	shalt  }
0x4f: {  	_ =	shalt  }
0x50: {  	_ =	shalt  }
0x51: {  	_ =	shalt  }
0x52: {  	_ =	shalt  }
0x53: {  	_ =	shalt  }
0x54: {  	_ =	shalt  }
0x55: {  	_ =	shalt  }
0x56: {  	_ =	shalt  }
0x57: {  	_ =	shalt  }
0x58: {  	_ =	shalt  }
0x59: {  	_ =	shalt  }
0x5a: {  	_ =	shalt  }
0x5b: {  	_ =	shalt  }
0x5c: {  	_ =	shalt  }
0x5d: {  	_ =	shalt  }
0x5e: {  	_ =	shalt  }
0x5f: {  	_ =	shalt  }
0x60: {  	_ =	shalt  }
0x61: {  	_ =	shalt  }
0x62: {  	_ =	shalt  }
0x63: {  	_ =	shalt  }
0x64: {  	_ =	shalt  }
0x65: {  	_ =	shalt  }
0x66: {  	_ =	shalt  }
0x67: {  	_ =	shalt  }
0x68: {  	_ =	shalt  }
0x69: {  	_ =	shalt  }
0x6a: {  	_ =	shalt  }
0x6b: {  	_ =	shalt  }
0x6c: {  	_ =	shalt  }
0x6d: {  	_ =	shalt  }
0x6e: {  	_ =	shalt  }
0x6f: {  	_ =	shalt  }
0x70: {  	_ =	shalt  }
0x71: {  	_ =	shalt  }
0x72: {  	_ =	shalt  }
0x73: {  	_ =	shalt  }
0x74: {  	_ =	shalt  }
0x75: {  	_ =	shalt  }
0x76: {  	_ =	shalt  }
0x77: {  	_ =	shalt  }
0x78: {  	_ =	shalt  }
0x79: {  	_ =	shalt  }
0x7a: {  	_ =	shalt  }
0x7b: {  	_ =	shalt  }
0x7c: {  	_ =	shalt  }
0x7d: {  	_ =	shalt  }
0x7e: {  	_ =	shalt  }
0x7f: {  	_ =	shalt  }
0x80: {  	_ =	shalt  }
0x81: {  	_ =	shalt  }
0x82: {  	_ =	shalt  }
0x83: {  	_ =	shalt  }
0x84: {  	_ =	shalt  }
0x85: {  	_ =	shalt  }
0x86: {  	_ =	shalt  }
0x87: {  	_ =	shalt  }
.Lfunc_end0:
.L_simem_size_0:
called_computation.2_lowered:
.L_overlay_start_0:
0x88: {  	s2 =	sld [smem:$0x3FD9]  }
0x89: {  	s3 =	sld [smem:$0x3FFE];
	_ =	sdelay $0x1  }
0x8a: {  	s1 =	srdreg.scid  }
0x8b: {  	s0 =	sand.u32 $0x1, s1  }
0x8c: {  	s17 =	sshll.u32 s0, $0xA;
	s2 =	sadd.s32 s3, s2  }
0x8d: {  	s2 =	sadd.s32 s2, s17  }
0x8e: {  	[smem:$0x3FC6] =	sst s2  }
0x8f: {  	_ = 	snop  }
0x90: {  	s2 =	sld [smem:$0x3FD0];
	(tm) =	ssettm $0x1  }
0x91: {  	s18 =	sld [smem:$0x3FFB];
	_ =	sdelay $0x3  }
0x92: {  	_ =	strace s18  }
0x93: {  	s3 =	sld [smem:$0x3FFC];
	_ =	sdelay $0x3  }
0x94: {  	_ =	strace s3  }
0x95: {  	s3 =	sld [smem:$0x3FFD];
	_ =	sdelay $0x3  }
0x96: {  	_ =	strace s3  }
0x97: {  	_ =	strace $0x8FFFFFFF  }
0x98: {  	s19 =	sld [smem:$0x3FDB];
	_ =	sdelay $0x1  }
0x99: {  	s4 =	simm.s32 $_scs_section_size  }
0x9a: {  	s5 =	simm.s32 $_size__tile_overlayer_lowered;
	s6 =	simm.s32 $_tile_overlayer_lowered  }
0x9b: {  	s22 =	simm.s32 $0x1BFF;
	s21 =	sshll.u32 s6, $0x1;
	s3 =	sadd.s32 s4, s19  }
0x9c: {  	s7 =	simm.s32 $0x0;
	s20 =	sshll.u32 s5, $0x1;
	s5 =	sadd.s32 s21, s3  }
0x9d: {  	[timem:s7], [sflag:s22] =	dma.local [hbm:s5], s20  }
0x9e: {  	_ =	swait.ge [sflag:s22], s20  }
0x9f: {  	s4 =	ssub.s32 $0x0, s20;
	[sflag:s22] =	ssyncset.done $0x0  }
0xa0: {  	[sflag:s22] =	ssyncadd.s32 s4;
	_ =	sdelay $0x1  }
0xa1: {  	s23 =	simm.s32 $0x1B8B  }
0xa2: {  	_ =	swait.ge [sflag:s23], $0x1  }
0xa3: {  	[sflag:s23] =	ssyncset.done $0x0  }
0xa4: {  	s25 =	simm.s32 $0x1B8E;
	s24 =	sld [smem:$0x3FFE];
	[sflag:s23] =	ssyncadd.s32 $0xFFFFFFFF  }
0xa5: {  	s26 =	simm.s32 $execute0_lowered;
	[smem:$0x3FD2] =	sst s25  }
0xa6: {  	s5 =	sshll.u32 s26, $0x1;
	_ =	strace $0x8000004C;
	[dreg:$0x1] =	wrdreg $0xFFFFFFFF  }
0xa7: {  	s28 =	simm.s32 $_size_execute0_lowered;
	s3 =	sadd.s32 s3, s5;
	[dreg:$0x0] =	wrdreg $0x0  }
0xa8: {  	s5 =	sshll.u32 s28, $0x1;
	[dreg:$0x2] =	wrdreg s3  }
0xa9: {  	[dreg:$0x3] =	wrdreg s5  }
0xaa: {  	[dreg:$0x4] =	wrdreg $0xC0  }
0xab: {  	_ =	task [dreg:s7], $0x5FFFF  }
0xac: {  	[dreg:$0x1] =	wrdreg $0xFFFFFFFF  }
0xad: {  	[dreg:$0x0] =	wrdreg $0x60  }
0xae: {  	[dreg:$0x2] =	wrdreg s2  }
0xaf: {  	[dreg:$0x3] =	wrdreg s24  }
0xb0: {  	[dreg:$0x4] =	wrdreg $0x9  }
0xb1: {  	_ =	task.clear_ibuf [dreg:s7], $0x5FFFF;
	_ =	strace $0x9000004C  }
0xb2: {  	s29 =	simm.s32 $0x9;
	_ =	strace $0x8000004E  }
0xb3: {  	_ =	swait.ge [sflag:s29], $0x1  }
0xb4: {  	[sflag:s29] =	ssyncadd.s32 $0xFFFFFFFF  }
0xb5: {  	_ =	strace $0x9000004E  }
0xb6: {  	_ =	sfence  }
0xb7: {  	s30 =	sld [smem:$0x0];
	_ =	sdelay $0x2  }
0xb8: {  	s31 =	sshll.u32 s1, $0xD;
	s1 =	sshrl.u32 s1, $0x2  }
0xb9: {  	s3 =	sand.u32 $0x4000, s31;
	s1 =	sadd.s32 s1, s30  }
0xba: {  	s0 =	sor.u32 s3, s0;
	s1 =	sshll.u32 s1, $0x11  }
0xbb: {  	s0 =	sor.u32 s1, s0  }
0xbc: {  	s0 =	sadd.s32 $0x8F2B, s0  }
0xbd: {  	[sflag:s0] =	ssyncadd.remote.s32 $0x1  }
0xbe: {  	_ =	sfence.sel $0xFFFF  }
0xbf: {  	[dreg:$0x0] =	wrdreg $0xFFFFFFFF;
	(pc) =	sbr.abs _section_cstart, $3  }
0xc0: {  	[dreg:$0x1] =	wrdreg $0xFFFFFFFF  }
0xc1: {  	_ =	task.clear_ibuf [dreg:s7], $0x2FFFF;
	_ =	strace $0x9FFFFFFF  }
0xc2: {  	(tm) =	ssettm $0x7FFFFFFF  }
0xc3: {  	_ =	shalt  }
tec
execute0_lowered:
.L_overlay_start_1:
0x0: {  	(tag) =	ssettag $0x1  }
0x1: {  	s2 =	rddreg [dreg:$0x0]  }
0x2: {  	s8 =	rddreg [dreg:$0x1]  }
0x3: {  	s0 =	rddreg [dreg:$0x2];
	s1 =	stileid.u32  }
0x4: {  	s3 =	srdreg.scid;
	_ =	strace $0x8000004D;
	s4 =	simm.s32 $0x1  }
0x5: {  	s7 =	simm.s32 $0x1;
	s9 =	simm.s32 $0x1;
	s10 =	simm.s32 $0x3  }
0x6: {  	s13 =	simm.s32 $0x0;
	s5 =	sand.u32 $0x1, s3;
	s6 =	sshll.u32 s1, $0x1  }
0x7: {  	s12 =	simm.s32 $0x0;
	s3 =	sadd.s32 $0x8000, s8;
	s5 =	sor.u32 s6, s5  }
.Ltmp0:
0x8: {  	[sflag:s4] =	ssyncpa.u1 $0x0;
	p0 =	slt.u32 s5, $0x13;
	(pc) =	sbr.rel .LBB2_1-.Ltmp0, $4  }
0x9: {  	s6 =	simm.s32 $0x2;
	s7 =	simm.s32 @!p0 $0x0;
	p0 =	sne.s32 s5, $0x12  }
0xa: {  	[sflag:s6] =	ssyncpa.u1 $0x0;
	s5 =	smul.u32 $0x7D0, s5;
	s9 =	simm.s32 @!p0 $0x0  }
0xb: {  	s8 =	sadd.s32 $0x4C00, s8;
	[sflag:s10] =	ssyncpa.u1 $0x0;
	s7 =	sadd.s32 s9, s7  }
0xc: {  	vm0 =	vmmov $0xffff;
	s10 =	simm.s32 $0x0;
	s11 =	smov.u32 s5;
	s9 =	sadd.s32 $0x1, s7  }
.LBB2_4:
0xd: {  	vm1 =	veq.s32 v4, $0x80000000;
	v56 =	vand.u32 $0x1F, v4;
	v6 =	vand.u32 $0x1FFF, v6  }
0xe: {  	v2 =	vor.u32 v2, v5;
	v59 =	vshrl.u32 v1, $0x5;
	v60 =	vand.u32 $0x1F, v1  }
0xf: {  	v4 =	vsel vm1, $0xFFFFFFFF, v56;
	v6 =	vsel vm1, $0xFFFFFFFF, v6;
	v2 =	vor.u32 v3, v2  }
0x10: {  	vm1 =	veq.s32 v1, $0x80000000;
	v5 =	vand.u32 $0x1FFF, v59;
	v7 =	vshrl.u32 v4, $0x3  }
0x11: {  	v57 =	vshll.u32 v6, $0x3;
	v4 =	vshll.u32 v4, $0x7;
	v1 =	vsel vm1, $0xFFFFFFFF, v60  }
0x12: {  	v5 =	vsel vm1, $0xFFFFFFFF, v5;
	v6 =	vand.u32 $0x7F, v6;
	v7 =	vmul.u32 $0xA000, v7  }
0x13: {  	v58 =	vand.u32 $0xFFFFFC00, v57;
	v4 =	vand.u32 $0x380, v4;
	v61 =	vshrl.u32 v1, $0x3  }
0x14: {  	v62 =	vshll.u32 v5, $0x3;
	v3 =	vadd.s32 v7, v58;
	v7 =	vmul.u32 $0xA000, v61  }
0x15: {  	v1 =	vshll.u32 v1, $0x7;
	v3 =	vor.u32 v4, v3;
	v4 =	vand.u32 $0xFFFFFC00, v62  }
0x16: {  	v1 =	vand.u32 $0x380, v1;
	v3 =	vor.u32 v6, v3;
	v4 =	vadd.s32 v7, v4  }
0x17: {  	[tilespmem:s16], [sflag:$0x1] =	stream.indirect_vreg.gather [hbm4b:s2+s10], $0x1, v0, vm0, $0x4038;
	v63 =	vand.u32 $0x7F, v5;
	v1 =	vor.u32 v1, v4;
	[tilespmem:$0x1F40] =	vst v63  }
0x18: {  	s15 =	sadd.s32 $0x10, s15;
	(ifvalue) =	ssetifvalue $0x7FFFFFFF;
	v0 =	vor.u32 v63, v1  }
0x19: {  	[tilespmem:s15], [sflag:$0x1] =	stream.indirect_vreg.gather [hbm4b:s2+s10], $0x1, v2, vm0, $0x4038;
	[tilespmem:$0x1F40] =	vst v63  }
0x1a: {  	s15 =	sadd.s32 $0x10, s15;
	(ifvalue) =	ssetifvalue $0x7FFFFFFF  }
0x1b: {  	[tilespmem:s15], [sflag:$0x1] =	stream.indirect_vreg.gather [hbm4b:s2+s10], $0x1, v3, vm0, $0x4038;
	[tilespmem:$0x1F40] =	vst v63  }
0x1c: {  	s15 =	sadd.s32 $0x10, s15;
	(ifvalue) =	ssetifvalue $0x7FFFFFFF  }
0x1d: {  	[tilespmem:s15], [sflag:$0x1] =	stream.indirect_vreg.gather [hbm4b:s2+s10], $0x1, v0, vm0, $0x4038;
	[tilespmem:$0x1F40] =	vst v63  }
0x1e: {  	_ =	swait.ge [sflag:s4], $0x7D0  }
0x1f: {  	s30 =	sshrl.u32 s13, $0x3;
	[sflag:s4] =	ssyncset.done $0x0  }
0x20: {  	s31 =	sand.u32 $0x7, s13;
	s15 =	sadd.s32 s8, s30;
	[sflag:s4] =	ssyncadd.s32 $0xFFFFF830  }
0x21: {  	[hbm4b:s15+s31] =	stream.linear.scatter [tilespmem:s14], [sflag:$0x3], $0x7D0, $0x38;
	[tilespmem:$0x1F40] =	vst v63  }
.LBB2_5:
0x22: {  	s15 =	sadd.s32 $0xFA00, s11  }
0x23: {  	p1 =	sgt.s32 s15, $0x1869F  }
0x24: {  	s15 =	smov.u32 @p1 s5;
	p1 =	sne.s32 s12, s9  }
.Ltmp1:
0x25: {  	p0 =	slt.u32 s12, $0x2;
	(pc) =	sbr.rel @!p1 .LBB2_6-.Ltmp1, $4  }
0x26: {  	s14 =	simm.s32 @!p0 $0x3  }
0x27: {  	_ =	swait.ge @!p0 [sflag:s14], $0x7D0  }
0x28: {  	s16 =	sadd.s32 $0x1, s12;
	s13 =	smov.u32 s11;
	[sflag:s14] =	ssyncset.done @!p0 $0x0  }
0x29: {  	s12 =	smov.u32 s16;
	s11 =	smov.u32 s15;
	[sflag:s14] =	ssyncadd.s32 @!p0 $0xFFFFF830  }
.LBB2_1:
0x2a: {  	p0 =	sge.u32 s12, s7  }
0x2b: {  	s14 =	sxor.u32 @!p0 $0x1, s12  }
0x2c: {  	s14 =	smul.u32 @!p0 $0x1F40, s14  }
0x2d: {  	s31 =	sadd.s32 $0xFFFFFFFF, s12;
	s15 =	sshrl.u32 @!p0 s11, $0x3  }
0x2e: {  	s16 =	sand.u32 @!p0 $0x7, s11;
	s15 =	sadd.s32 @!p0 s3, s15;
	s14 =	sshra.s32 @!p0 s14, $0x2  }
0x2f: {  	[tilespmem:s14], [sflag:$0x2] =	stream.linear.gather @!p0 [hbm4b:s15+s16], $0x7D0, $0x38;
	[tilespmem:$0x1F40] =	vst v63  }
0x30: {  	p0 =	sge.u32 s31, s7  }
.Ltmp2:
0x31: {  	_ = 	snop;
	(pc) =	sbr.rel @p0 .LBB2_5-.Ltmp2, $1  }
0x32: {  	_ =	sdelay $0x3  }
0x33: {  	s14 =	sand.u32 $0x1, s12  }
0x34: {  	_ =	swait.ge [sflag:s6], $0x7D0;
	p0 =	seq.s32 s14, $0x1;
	s14 =	simm.s32 $0x7D0  }
0x35: {  	[sflag:s6] =	ssyncset.done $0x0;
	s14 =	simm.s32 @!p0 $0x0  }
0x36: {  	[sflag:s6] =	ssyncadd.s32 $0xFFFFF830;
	(ifvalue) =	ssetifvalue $0x7FFFFFFF;
	v0 =	vld.msk [tilespmem:s14+$0x0 ss:$0x1], $0xffff  }
0x37: {  	s15 =	sadd.s32 $0x10, s14  }
0x38: {  	v1 =	vld.msk [tilespmem:s15+$0x0 ss:$0x1], $0xffff;
	_ =	sdelay $0x2  }
0x39: {  	v2 =	vshrl.u32 v0, $0x5  }
0x3a: {  	vm1 =	veq.s32 v0, $0x80000000;
	v0 =	vand.u32 $0x1F, v0;
	v2 =	vand.u32 $0x1FFF, v2  }
0x3b: {  	v0 =	vsel vm1, $0xFFFFFFFF, v0;
	v6 =	vshrl.u32 v1, $0x5;
	v2 =	vsel vm1, $0xFFFFFFFF, v2  }
0x3c: {  	v3 =	vshrl.u32 v0, $0x3;
	v0 =	vshll.u32 v0, $0x7;
	vm1 =	veq.s32 v1, $0x80000000  }
0x3d: {  	s15 =	sadd.s32 $0x10, s15;
	v1 =	vand.u32 $0x1F, v1;
	v4 =	vshll.u32 v2, $0x3;
	v3 =	vmul.u32 $0xA000, v3  }
0x3e: {  	v0 =	vand.u32 $0x380, v0;
	v7 =	vand.u32 $0x7F, v2;
	v5 =	vand.u32 $0xFFFFFC00, v4;
	v4 =	vld.msk [tilespmem:s15+$0x0 ss:$0x1], $0xffff  }
0x3f: {  	v1 =	vsel vm1, $0xFFFFFFFF, v1;
	v2 =	vadd.s32 v3, v5;
	v3 =	vand.u32 $0x1FFF, v6  }
0x40: {  	v3 =	vsel vm1, $0xFFFFFFFF, v3;
	v0 =	vor.u32 v0, v2;
	v2 =	vshrl.u32 v1, $0x3  }
0x41: {  	v1 =	vshll.u32 v1, $0x7;
	v5 =	vshll.u32 v3, $0x3;
	v8 =	vmul.u32 $0xA000, v2  }
0x42: {  	s18 =	simm.s32 $0x30;
	s14 =	sadd.s32 $0xFA0, s14;
	s17 =	sadd.s32 $0x10, s15;
	v2 =	vand.u32 $0x380, v1;
	v0 =	vor.u32 v7, v0;
	v5 =	vand.u32 $0xFFFFFC00, v5  }
0x43: {  	s16 =	smov.u32 s14;
	s15 =	smov.u32 s14;
	v1 =	vld.msk [tilespmem:s17+$0x0 ss:$0x1], $0xffff;
	v3 =	vand.u32 $0x7F, v3;
	(ifvalue) =	ssetifvalue $0x7FFFFFFF;
	v6 =	vshrl.u32 v4, $0x5;
	v5 =	vadd.s32 v8, v5  }
.LBB2_3:
0x44: {  	s18 =	sadd.s32 $0x10, s18  }
0x45: {  	vm1 =	veq.s32 v4, $0x80000000;
	v4 =	vand.u32 $0x1F, v4;
	v6 =	vand.u32 $0x1FFF, v6;
	s15 =	sadd.s32 $0x10, s15;
	p0 =	slt.u32 s18, $0x7C0  }
.Ltmp3:
0x46: {  	v5 =	vor.u32 v2, v5;
	v4 =	vsel vm1, $0xFFFFFFFF, v4;
	v7 =	vsel vm1, $0xFFFFFFFF, v6;
	(pc) =	sbr.rel @p0 .LBB2_3-.Ltmp3, $4  }
0x47: {  	v2 =	vshrl.u32 v4, $0x3;
	v6 =	vshll.u32 v7, $0x3;
	v4 =	vshll.u32 v4, $0x7;
	[tilespmem:s16], [sflag:$0x1] =	stream.indirect_vreg.gather [hbm4b:s2+s10], $0x1, v0, vm0, $0x4038;
	[tilespmem:$0x1F40] =	vst v63  }
0x48: {  	v0 =	vor.u32 v3, v5;
	s16 =	smov.u32 s15;
	v8 =	vmul.u32 $0xA000, v2;
	v2 =	vand.u32 $0x380, v4  }
0x49: {  	s17 =	sadd.s32 $0x10, s17;
	v9 =	vand.u32 $0xFFFFFC00, v6  }
0x4a: {  	v3 =	vand.u32 $0x7F, v7;
	v6 =	vshrl.u32 v1, $0x5;
	v5 =	vadd.s32 v8, v9;
	(ifvalue) =	ssetifvalue $0x7FFFFFFF;
	v4 =	vmovc v1;
	v1 =	vld.msk [tilespmem:s17+$0x0 ss:$0x1], $0xffff  }
.Ltmp4:
0x4b: {  	_ = 	snop;
	(pc) =	sbr.rel .LBB2_4-.Ltmp4, $1  }
0x4c: {  	_ =	sdelay $0x3  }
.LBB2_6:
0x4d: {  	_ =	sfence.sel $0x180000  }
0x4e: {  	s2 =	simm.s32 $0x2;
	[bflag:$0x0] =	sbarrier.arrive $0xFFFF  }
0x4f: {  	s30 =	simm.s32 $0x3;
	[sflag:s2] =	ssyncpa.u1 $0x1  }
0x50: {  	s31 =	simm.s32 $0x1;
	[sflag:s30] =	ssyncpa.u1 $0x1  }
0x51: {  	[sflag:s31] =	ssyncpa.u1 $0x1  }
0x52: {  	p0 =	sne.s32 s1, $0x0;
	_ =	strace $0x9000004D  }
0x53: {  	s0 =	sadd.s32 @!p0 $0x100000, s0;
	[bflag:$0x2] =	sbarrier.arrive $0xFFFF  }
0x54: {  	[sflag:s0] =	ssyncadd.tile.s32 @!p0 $0x1;
	_ =	shalt  }
.Lfunc_end2:
_tile_overlayer_lowered:
.L_overlay_start_2:
0x55: {  	(tag) =	ssettag $0x2  }
0x56: {  	s0 =	rddreg [dreg:$0x0];
	s2 =	stileid.u32  }
0x57: {  	s1 =	rddreg [dreg:$0x1];
	p0 =	sne.s32 s2, $0x0  }
0x58: {  	s3 =	rddreg [dreg:$0x2];
	[bflag:$0x3] =	sbarrier.arrive $0xFFFF;
	s2 =	simm.s32 @!p0 $0x1C01  }
0x59: {  	[timem:s3], [sflag:s2] =	dma.local @!p0 [hbm:s0], s1  }
0x5a: {  	s0 =	simm.s32 @!p0 $0x1  }
0x5b: {  	_ =	swait.ge @!p0 [sflag:s0], s1  }
0x5c: {  	s1 =	ssub.s32 @!p0 $0x0, s1;
	[sflag:s0] =	ssyncset.done @!p0 $0x0  }
0x5d: {  	[sflag:s0] =	ssyncadd.s32 @!p0 s1  }
0x5e: {  	[bflag:$0x3] =	sbarrier.arrive $0xFFFF  }
0x5f: {  	_ =	shalt  }

// kernel: gather_offload_async_start
scs
__scs_entry_jumppad:
0x0: {  	(pc) =	sbr.rel $0x88, $3  }
0x1: {  	(tag) =	ssettag $0x0;
	lr =	simm.s32 $0x1  }
0x2: {  	[smem:$0x3F9F] =	sst lr;
	_ =	strace $0xD0000000  }
0x3: {  	_ = 	snop  }
0x4: {  	_ = 	snop  }
0x5: {  	_ = 	snop  }
0x6: {  	_ = 	snop  }
0x7: {  	_ = 	snop  }
__scs_overlays_trampoline_lowered:
0x8: {  	[smem:$0x3FAE] =	sst s0  }
0x9: {  	[smem:$0x3FAF] =	sst s1  }
0xa: {  	[smem:$0x3FB0] =	sst s2  }
0xb: {  	[smem:$0x3FB1] =	sst s3  }
0xc: {  	[smem:$0x3FB2] =	sst s4  }
0xd: {  	[smem:$0x3FB3] =	sst s5  }
0xe: {  	[smem:$0x3FB4] =	sst s6  }
0xf: {  	[smem:$0x3FB5] =	sst s7  }
0x10: {  	[smem:$0x3FB6] =	sst s8  }
0x11: {  	[smem:$0x3FB7] =	sst s9;
	s0 =	simm.s32 @!p0 $0x0  }
0x12: {  	s1 =	sld [smem:$0x3F9D];
	s0 =	simm.s32 @p0 $0x1  }
0x13: {  	[smem:$0x3FB8] =	sst s0;
	s0 =	simm.s32 @!p1 $0x0  }
0x14: {  	s2 =	sld [smem:$0x3F9C];
	s0 =	simm.s32 @p1 $0x1  }
0x15: {  	[smem:$0x3FB9] =	sst s0;
	s0 =	simm.s32 @!p2 $0x0  }
0x16: {  	s3 =	sld [smem:$0x3FDB];
	s0 =	simm.s32 @p2 $0x1  }
0x17: {  	s4 =	simm.s32 $0x1BF5;
	[smem:$0x3FBB] =	sst s0  }
0x18: {  	s0 =	sld [smem:$0x3F9E];
	_ =	swait.ge [sflag:s4], $0x0  }
0x19: {  	s7 =	sld [smem:$0x3F9F]  }
0x1a: {  	s8 =	sadd.s32 $0xFFFFE003, lr  }
0x1b: {  	s9 =	sadd.s32 $0xFFFFFEF7, lr;
	s5 =	simm.s32 $0xFFFFFFFF;
	p2 =	slt.u32 s8, $0xFFFFF086  }
0x1c: {  	p1 =	slt.u32 s9, $0xF7A;
	s5 =	simm.s32 @!p2 $0x0  }
0x1d: {  	s5 =	simm.s32 @p1 $0x1;
	p0 =	seq.s32 s7, s2  }
0x1e: {  	s7 =	smul.u32 @!p0 $0xF7A, s2;
	p2 =	seq.s32 @!p0 s5, $0x0  }
0x1f: {  	s9 =	smul.u32 $0xF7A, s1;
	s8 =	simm.s32 @!p0 $0x1BF5;
	p2 =	por !p2, p0  }
0x20: {  	[sflag:s8] =	ssyncset.s32 @!p0 $0xFFFFF086;
	s6 =	sadd.s32 @!p0 s3, s7;
	s7 =	simm.s32 @!p0 $0x108  }
0x21: {  	s3 =	sadd.s32 s3, s9;
	s6 =	sadd.s32 @!p0 $0x88, s6;
	s7 =	simm.s32 @p2 $0x1082  }
0x22: {  	[simem:s7], [sflag:s8] =	dma.local @!p0 [hbm:s6], $0xF7A  }
0x23: {  	s9 =	sor.u32 $0xD0000000, s2;
	s6 =	simm.s32 $0x108;
	_ =	swait.ge @!p0 [sflag:s8], $0x0  }
0x24: {  	s3 =	sadd.s32 $0x88, s3;
	s6 =	simm.s32 @!p1 $0x1082;
	[sflag:s4] =	ssyncset.s32 $0xFFFFF086  }
0x25: {  	[simem:s6], [sflag:s4] =	dma.local [hbm:s3], $0xF7A  }
0x26: {  	[smem:$0x3F9F] =	sst s1;
	(tag) =	ssettag s2;
	_ =	strace s9  }
0x27: {  	s1 =	sld [smem:$0x3FAF]  }
0x28: {  	s2 =	sld [smem:$0x3FB0]  }
0x29: {  	s4 =	sld [smem:$0x3FB2]  }
0x2a: {  	p0 =	seq.s32 s5, $0x0;
	s5 =	sld [smem:$0x3FB3]  }
0x2b: {  	s6 =	sld [smem:$0x3FB4]  }
0x2c: {  	s7 =	sld [smem:$0x3FB5]  }
0x2d: {  	s3 =	simm.s32 $0x108;
	s8 =	sld [smem:$0x3FB6]  }
0x2e: {  	s3 =	simm.s32 @!p0 $0x1082;
	s9 =	sld [smem:$0x3FB7]  }
0x2f: {  	lr =	sadd.s32 s0, s3;
	s0 =	sld [smem:$0x3FAE]  }
0x30: {  	s3 =	sld [smem:$0x3FB1]  }
0x31: {  	[smem:$0x3FBA] =	sst s10  }
0x32: {  	s10 =	sld [smem:$0x3FB8];
	_ =	sdelay $0x3  }
0x33: {  	p0 =	seq.s32 s10, $0x1;
	s10 =	sld [smem:$0x3FBA];
	_ =	sdelay $0x3  }
0x34: {  	[smem:$0x3FBA] =	sst s10  }
0x35: {  	s10 =	sld [smem:$0x3FB9];
	_ =	sdelay $0x3  }
0x36: {  	p1 =	seq.s32 s10, $0x1;
	s10 =	sld [smem:$0x3FBA];
	_ =	sdelay $0x3  }
0x37: {  	[smem:$0x3FBA] =	sst s10  }
0x38: {  	s10 =	sld [smem:$0x3FBB]  }
0x39: {  	_ = 	snop;
	(pc) =	sbr.ind lr, $3  }
0x3a: {  	_ = 	snop  }
0x3b: {  	_ = 	snop  }
0x3c: {  	p2 =	seq.s32 s10, $0x1;
	s10 =	sld [smem:$0x3FBA]  }
0x3d: {  	_ =	shalt  }
0x3e: {  	_ =	shalt  }
0x3f: {  	_ =	shalt  }
0x40: {  	_ =	shalt  }
0x41: {  	_ =	shalt  }
0x42: {  	_ =	shalt  }
0x43: {  	_ =	shalt  }
0x44: {  	_ =	shalt  }
0x45: {  	_ =	shalt  }
0x46: {  	_ =	shalt  }
0x47: {  	_ =	shalt  }
0x48: {  	_ =	shalt  }
0x49: {  	_ =	shalt  }
0x4a: {  	_ =	shalt  }
0x4b: {  	_ =	shalt  }
0x4c: {  	_ =	shalt  }
0x4d: {  	_ =	shalt  }
0x4e: {  	_ =	shalt  }
0x4f: {  	_ =	shalt  }
0x50: {  	_ =	shalt  }
0x51: {  	_ =	shalt  }
0x52: {  	_ =	shalt  }
0x53: {  	_ =	shalt  }
0x54: {  	_ =	shalt  }
0x55: {  	_ =	shalt  }
0x56: {  	_ =	shalt  }
0x57: {  	_ =	shalt  }
0x58: {  	_ =	shalt  }
0x59: {  	_ =	shalt  }
0x5a: {  	_ =	shalt  }
0x5b: {  	_ =	shalt  }
0x5c: {  	_ =	shalt  }
0x5d: {  	_ =	shalt  }
0x5e: {  	_ =	shalt  }
0x5f: {  	_ =	shalt  }
0x60: {  	_ =	shalt  }
0x61: {  	_ =	shalt  }
0x62: {  	_ =	shalt  }
0x63: {  	_ =	shalt  }
0x64: {  	_ =	shalt  }
0x65: {  	_ =	shalt  }
0x66: {  	_ =	shalt  }
0x67: {  	_ =	shalt  }
0x68: {  	_ =	shalt  }
0x69: {  	_ =	shalt  }
0x6a: {  	_ =	shalt  }
0x6b: {  	_ =	shalt  }
0x6c: {  	_ =	shalt  }
0x6d: {  	_ =	shalt  }
0x6e: {  	_ =	shalt  }
0x6f: {  	_ =	shalt  }
0x70: {  	_ =	shalt  }
0x71: {  	_ =	shalt  }
0x72: {  	_ =	shalt  }
0x73: {  	_ =	shalt  }
0x74: {  	_ =	shalt  }
0x75: {  	_ =	shalt  }
0x76: {  	_ =	shalt  }
0x77: {  	_ =	shalt  }
0x78: {  	_ =	shalt  }
0x79: {  	_ =	shalt  }
0x7a: {  	_ =	shalt  }
0x7b: {  	_ =	shalt  }
0x7c: {  	_ =	shalt  }
0x7d: {  	_ =	shalt  }
0x7e: {  	_ =	shalt  }
0x7f: {  	_ =	shalt  }
0x80: {  	_ =	shalt  }
0x81: {  	_ =	shalt  }
0x82: {  	_ =	shalt  }
0x83: {  	_ =	shalt  }
0x84: {  	_ =	shalt  }
0x85: {  	_ =	shalt  }
0x86: {  	_ =	shalt  }
0x87: {  	_ =	shalt  }
.Lfunc_end0:
.L_simem_size_0:
called_computation_lowered:
.L_overlay_start_0:
0x88: {  	s2 =	sld [smem:$0x3FD9]  }
0x89: {  	s3 =	sld [smem:$0x3FFE];
	_ =	sdelay $0x1  }
0x8a: {  	s1 =	srdreg.scid  }
0x8b: {  	s0 =	sand.u32 $0x1, s1  }
0x8c: {  	s16 =	sshll.u32 s0, $0xA;
	s2 =	sadd.s32 s3, s2  }
0x8d: {  	s2 =	sadd.s32 s2, s16  }
0x8e: {  	[smem:$0x3FC6] =	sst s2  }
0x8f: {  	_ = 	snop  }
0x90: {  	(tm) =	ssettm $0x1  }
0x91: {  	s17 =	sld [smem:$0x3FFB];
	_ =	sdelay $0x3  }
0x92: {  	_ =	strace s17  }
0x93: {  	s2 =	sld [smem:$0x3FFC];
	_ =	sdelay $0x3  }
0x94: {  	_ =	strace s2  }
0x95: {  	s2 =	sld [smem:$0x3FFD];
	_ =	sdelay $0x3  }
0x96: {  	_ =	strace s2  }
0x97: {  	_ =	strace $0x8FFFFFFF  }
0x98: {  	s18 =	sld [smem:$0x3FDB];
	_ =	sdelay $0x1  }
0x99: {  	s19 =	simm.s32 $_scs_section_size  }
0x9a: {  	s4 =	simm.s32 $_size__tile_overlayer_lowered;
	s5 =	simm.s32 $_tile_overlayer_lowered  }
0x9b: {  	s22 =	simm.s32 $0x1BFF;
	s21 =	sshll.u32 s5, $0x1;
	s2 =	sadd.s32 s19, s18  }
0x9c: {  	s6 =	simm.s32 $0x0;
	s20 =	sshll.u32 s4, $0x1;
	s4 =	sadd.s32 s21, s2  }
0x9d: {  	[timem:s6], [sflag:s22] =	dma.local [hbm:s4], s20  }
0x9e: {  	_ =	swait.ge [sflag:s22], s20  }
0x9f: {  	s3 =	ssub.s32 $0x0, s20;
	[sflag:s22] =	ssyncset.done $0x0  }
0xa0: {  	[sflag:s22] =	ssyncadd.s32 s3;
	_ =	sdelay $0x1  }
0xa1: {  	s23 =	simm.s32 $0x1B8B  }
0xa2: {  	_ =	swait.ge [sflag:s23], $0x1  }
0xa3: {  	[sflag:s23] =	ssyncset.done $0x0  }
0xa4: {  	s25 =	simm.s32 $0x1B8E;
	s24 =	sld [smem:$0x3FFE];
	[sflag:s23] =	ssyncadd.s32 $0xFFFFFFFF  }
0xa5: {  	s26 =	simm.s32 $execute0_lowered;
	[smem:$0x3FD2] =	sst s25  }
0xa6: {  	s4 =	sshll.u32 s26, $0x1;
	_ =	strace $0x80000049;
	[dreg:$0x1] =	wrdreg $0xFFFFFFFF  }
0xa7: {  	s28 =	simm.s32 $_size_execute0_lowered;
	s2 =	sadd.s32 s2, s4;
	[dreg:$0x0] =	wrdreg $0x0  }
0xa8: {  	s4 =	sshll.u32 s28, $0x1;
	[dreg:$0x2] =	wrdreg s2  }
0xa9: {  	[dreg:$0x3] =	wrdreg s4  }
0xaa: {  	[dreg:$0x4] =	wrdreg $0xC0  }
0xab: {  	_ =	task [dreg:s6], $0x5FFFF  }
0xac: {  	[dreg:$0x1] =	wrdreg $0xFFFFFFFF  }
0xad: {  	[dreg:$0x0] =	wrdreg $0x60  }
0xae: {  	[dreg:$0x2] =	wrdreg s24  }
0xaf: {  	[dreg:$0x3] =	wrdreg $0x9  }
0xb0: {  	_ =	task.clear_ibuf [dreg:s6], $0x4FFFF;
	_ =	strace $0x90000049  }
0xb1: {  	s29 =	simm.s32 $0x9;
	_ =	strace $0x8000004B  }
0xb2: {  	_ =	swait.ge [sflag:s29], $0x1  }
0xb3: {  	[sflag:s29] =	ssyncadd.s32 $0xFFFFFFFF  }
0xb4: {  	_ =	strace $0x9000004B  }
0xb5: {  	_ =	sfence  }
0xb6: {  	s30 =	sld [smem:$0x0];
	_ =	sdelay $0x2  }
0xb7: {  	s31 =	sshll.u32 s1, $0xD;
	s1 =	sshrl.u32 s1, $0x2  }
0xb8: {  	s3 =	sand.u32 $0x4000, s31;
	s1 =	sadd.s32 s1, s30  }
0xb9: {  	s0 =	sor.u32 s3, s0;
	s1 =	sshll.u32 s1, $0x11  }
0xba: {  	s0 =	sor.u32 s1, s0  }
0xbb: {  	s0 =	sadd.s32 $0x8F2B, s0  }
0xbc: {  	[sflag:s0] =	ssyncadd.remote.s32 $0x1  }
0xbd: {  	_ =	sfence.sel $0xFFFF  }
0xbe: {  	[dreg:$0x0] =	wrdreg $0xFFFFFFFF;
	(pc) =	sbr.abs _section_cstart, $3  }
0xbf: {  	[dreg:$0x1] =	wrdreg $0xFFFFFFFF  }
0xc0: {  	_ =	task.clear_ibuf [dreg:s6], $0x2FFFF;
	_ =	strace $0x9FFFFFFF  }
0xc1: {  	(tm) =	ssettm $0x7FFFFFFF  }
tec
execute0_lowered:
.L_overlay_start_1:
0x0: {  	(tag) =	ssettag $0x1  }
0x1: {  	s0 =	srdreg.scid  }
0x2: {  	s1 =	sshll.u32 s0, $0x4  }
0x3: {  	s0 =	stileid.u32;
	s1 =	sand.u32 $0x10, s1  }
0x4: {  	s1 =	sor.u32 s0, s1  }
0x5: {  	s2 =	smul.u32 $0x7, s1  }
0x6: {  	s3 =	smin.u32 s1, $0x1A  }
0x7: {  	s2 =	sadd.s32 s3, s2  }
0x8: {  	p0 =	slt.u32 s1, $0x1A;
	s1 =	simm.s32 $0xC80;
	s2 =	smul.u32 $0x190, s2  }
0x9: {  	s1 =	simm.s32 @!p0 $0xAF0  }
0xa: {  	s1 =	sadd.s32 s1, s2  }
0xb: {  	s3 =	smin.u32 s1, $0x186A0  }
0xc: {  	s7 =	ssub.s32 s3, s2  }
0xd: {  	p0 =	sgt.s32 s7, $0x0  }
0xe: {  	s7 =	simm.s32 @!p0 $0x0  }
0xf: {  	s31 =	smulhi.u32 $0x51EB851F, s7  }
0x10: {  	s9 =	rddreg [dreg:$0x0];
	s6 =	simm.s32 $0x1;
	s11 =	simm.s32 $0x3  }
0x11: {  	s13 =	simm.s32 $0x0;
	s12 =	simm.s32 $0x0;
	s8 =	sshrl.u32 s31, $0x7  }
0x12: {  	s4 =	sadd.s32 $0xB200, s9;
	s5 =	sadd.s32 $0x4E00, s9;
	s10 =	smul.u32 $0x190, s8  }
.Ltmp0:
0x13: {  	s9 =	sadd.s32 $0x192C00, s9;
	s1 =	rddreg [dreg:$0x1];
	(pc) =	sbr.rel .LBB2_1-.Ltmp0, $4  }
0x14: {  	_ =	strace $0x8000004A;
	p0 =	sne.s32 s7, s10;
	s10 =	simm.s32 $0x1  }
0x15: {  	[sflag:s6] =	ssyncpa.u1 $0x0;
	s7 =	simm.s32 $0x2;
	s10 =	simm.s32 @!p0 $0x0  }
0x16: {  	[sflag:s7] =	ssyncpa.u1 $0x0;
	p0 =	por $0x0, $0x0;
	s8 =	sadd.s32 s10, s8  }
0x17: {  	vm0 =	vmmov $0xff;
	vm1 =	vcmask $0x3F20;
	[sflag:s11] =	ssyncpa.u1 $0x0;
	s11 =	smov.u32 s2;
	s10 =	sadd.s32 $0x1, s8  }
.LBB2_6:
0x18: {  	[hbm:s17] =	stream.linear.scatter [tilespmem:s14], [sflag:$0x3], $0x400, $0x38;
	[tilespmem:$0x19320] =	vst v63  }
.LBB2_7:
0x19: {  	s13 =	sadd.s32 $0x190, s11  }
0x1a: {  	s15 =	smov.u32 s2;
	p2 =	slt.s32 s13, s3  }
0x1b: {  	s15 =	smov.u32 @p2 s13;
	p2 =	sne.s32 s12, s10  }
.Ltmp1:
0x1c: {  	p1 =	slt.u32 s12, $0x2;
	(pc) =	sbr.rel @!p2 .LBB2_8-.Ltmp1, $4  }
0x1d: {  	s14 =	simm.s32 @!p1 $0x3  }
0x1e: {  	s16 =	sadd.s32 $0x1, s12;
	_ =	swait.ge @!p1 [sflag:s14], $0xC800  }
0x1f: {  	p0 =	por !p0, !p0;
	s13 =	smov.u32 s11;
	[sflag:s14] =	ssyncset.done @!p1 $0x0  }
0x20: {  	s12 =	smov.u32 s16;
	s11 =	smov.u32 s15;
	[sflag:s14] =	ssyncadd.s32 @!p1 $0xFFFF3800  }
.LBB2_1:
0x21: {  	p1 =	sge.u32 s12, s8  }
0x22: {  	s14 =	sxor.u32 @!p1 $0xFFFFFFFF, s12  }
0x23: {  	s14 =	sand.u32 @!p1 $0x1, s14  }
0x24: {  	s14 =	smul.u32 @!p1 $0x640, s14  }
0x25: {  	s31 =	sadd.s32 $0xFFFFFFFF, s12;
	s15 =	sshrl.u32 @!p1 s11, $0x3  }
0x26: {  	s16 =	sand.u32 @!p1 $0x7, s11;
	s15 =	sadd.s32 @!p1 s5, s15;
	s14 =	sshrl.u32 @!p1 s14, $0x2  }
0x27: {  	[tilespmem:s14], [sflag:$0x2] =	stream.linear.gather @!p1 [hbm4b:s15+s16], $0x190, $0x38;
	[tilespmem:$0x19320] =	vst v63  }
0x28: {  	p1 =	sge.u32 s31, s8  }
.Ltmp2:
0x29: {  	_ = 	snop;
	(pc) =	sbr.rel @p1 .LBB2_7-.Ltmp2, $1  }
0x2a: {  	_ =	sdelay $0x3  }
0x2b: {  	s14 =	simm.s32 $0x1  }
0x2c: {  	s14 =	simm.s32 @!p0 $0x0  }
0x2d: {  	s15 =	smul.u32 $0x640, s14  }
0x2e: {  	_ =	swait.ge [sflag:s7], $0x190  }
0x2f: {  	[sflag:s7] =	ssyncset.done $0x0;
	s16 =	sshrl.u32 s15, $0x2  }
0x30: {  	[sflag:s7] =	ssyncadd.s32 $0xFFFFFE70;
	s15 =	sadd.s32 $0x0, s16  }
0x31: {  	v0 =	vld.msk [tilespmem:s15+$0x0 ss:$0x1], $0xffff;
	_ =	sdelay $0x4  }
0x32: {  	v1 =	vand.u32 $0x1F, v0;
	v2 =	vshll.u32 v0, $0x2  }
0x33: {  	vm2 =	veq.s32 v0, $0x80000000;
	v0 =	vmul.u32 $0x9C400, v1;
	v1 =	vand.u32 $0xFFF80, v2  }
0x34: {  	v1 =	vsel vm2, $0xFFFFFF80, v1  }
0x35: {  	v0 =	vsel vm2, $0xFFF63C00, v0;
	v2 =	vand.u32 $0xFFFFFC00, v1  }
0x36: {  	v1 =	vand.u32 $0x380, v1;
	v0 =	vadd.s32 v0, v2  }
0x37: {  	v0 =	vor.u32 v1, v0  }
0x38: {  	v0 =	vshrl.u32 v0, $0x3  }
0x39: {  	s14 =	smul.u32 $0x32000, s14;
	_ =	sdelay $0x1  }
0x3a: {  	s14 =	sshrl.u32 s14, $0x2  }
0x3b: {  	s14 =	sor.u32 $0x320, s14  }
0x3c: {  	[tilespmem:s14], [sflag:$0x1] =	stream.indirect_vreg.gather [hbm:s4], $0x80, v0, vm0, $0x38;
	[tilespmem:$0x19320] =	vst v63  }
0x3d: {  	s17 =	sadd.s32 $0x10, s16;
	s15 =	sadd.s32 $0x400, s14  }
0x3e: {  	[tilespmem:s15], [sflag:$0x1] =	stream.indirect_vreg.gather [hbm:s4], $0x80, v0, vm1, $0x38;
	[tilespmem:$0x19320] =	vst v63  }
0x3f: {  	s18 =	simm.s32 $0x80;
	v0 =	vld.msk [tilespmem:s17+$0x0 ss:$0x1], $0xffff;
	s17 =	smov.u32 s14  }
.LBB2_3:
0x40: {  	p1 =	sne.s32 s18, $0x600;
	_ =	sdelay $0x4  }
0x41: {  	v1 =	vand.u32 $0x1F, v0;
	v2 =	vshll.u32 v0, $0x2  }
0x42: {  	vm2 =	veq.s32 v0, $0x80000000;
	v0 =	vmul.u32 $0x9C400, v1;
	v1 =	vand.u32 $0xFFF80, v2  }
0x43: {  	v1 =	vsel vm2, $0xFFFFFF80, v1  }
0x44: {  	v0 =	vsel vm2, $0xFFF63C00, v0;
	v2 =	vand.u32 $0xFFFFFC00, v1  }
0x45: {  	v1 =	vand.u32 $0x380, v1;
	v0 =	vadd.s32 v0, v2  }
0x46: {  	v0 =	vor.u32 v1, v0  }
0x47: {  	v0 =	vshrl.u32 v0, $0x3;
	_ =	sdelay $0x3  }
.Ltmp3:
0x48: {  	s19 =	sshra.s32 s18, $0x2;
	s17 =	sadd.s32 $0x800, s17;
	(pc) =	sbr.rel @p1 .LBB2_3-.Ltmp3, $4  }
0x49: {  	[tilespmem:s17], [sflag:$0x1] =	stream.indirect_vreg.gather [hbm:s4], $0x80, v0, vm0, $0x38;
	[tilespmem:$0x19320] =	vst v63  }
0x4a: {  	s19 =	sadd.s32 s19, s16;
	s20 =	sadd.s32 $0x400, s17  }
0x4b: {  	[tilespmem:s20], [sflag:$0x1] =	stream.indirect_vreg.gather [hbm:s4], $0x80, v0, vm1, $0x38;
	[tilespmem:$0x19320] =	vst v63  }
0x4c: {  	s18 =	sadd.s32 $0x40, s18;
	v0 =	vld.msk [tilespmem:s19+$0x0 ss:$0x1], $0xffff  }
0x4d: {  	_ =	sdelay $0x3  }
0x4e: {  	v1 =	vand.u32 $0x1F, v0;
	v2 =	vshll.u32 v0, $0x2  }
0x4f: {  	vm2 =	veq.s32 v0, $0x80000000;
	v61 =	vmul.u32 $0x9C400, v1;
	v62 =	vand.u32 $0xFFF80, v2  }
0x50: {  	v1 =	vsel vm2, $0xFFFFFF80, v62  }
0x51: {  	v0 =	vsel vm2, $0xFFF63C00, v61;
	v63 =	vand.u32 $0xFFFFFC00, v1  }
0x52: {  	v1 =	vand.u32 $0x380, v1;
	v0 =	vadd.s32 v0, v63  }
0x53: {  	v0 =	vor.u32 v1, v0  }
0x54: {  	v0 =	vshrl.u32 v0, $0x3;
	_ =	sdelay $0x3  }
0x55: {  	s16 =	sadd.s32 $0x800, s17  }
0x56: {  	[tilespmem:s16], [sflag:$0x1] =	stream.indirect_vreg.gather [hbm:s4], $0x80, v0, vm0, $0x38;
	[tilespmem:$0x19320] =	vst v63  }
0x57: {  	s16 =	sadd.s32 $0x400, s16  }
0x58: {  	[tilespmem:s16], [sflag:$0x1] =	stream.indirect_vreg.gather [hbm:s4], $0x80, v0, vm1, $0x38;
	[tilespmem:$0x19320] =	vst v63  }
0x59: {  	s13 =	sshll.u32 s13, $0x4;
	_ =	swait.ge [sflag:s6], $0xC800  }
0x5a: {  	s13 =	sadd.s32 s13, s9;
	[sflag:s6] =	ssyncset.done $0x0  }
0x5b: {  	s17 =	sadd.s32 $0x0, s13;
	s16 =	simm.s32 $0x80;
	[sflag:s6] =	ssyncadd.s32 $0xFFFF3800  }
.LBB2_5:
0x5c: {  	[hbm:s17] =	stream.linear.scatter [tilespmem:s14], [sflag:$0x3], $0x400, $0x38;
	[tilespmem:$0x19320] =	vst v63  }
0x5d: {  	s17 =	smov.u32 s16;
	s14 =	smov.u32 s15;
	p1 =	sne.s32 s16, $0x1880  }
.Ltmp4:
0x5e: {  	s16 =	sadd.s32 $0x80, s16;
	(pc) =	sbr.rel @p1 .LBB2_5-.Ltmp4, $2  }
0x5f: {  	_ =	sdelay $0x2  }
0x60: {  	s15 =	sadd.s32 $0x400, s15;
	s17 =	sadd.s32 s17, s13  }
.Ltmp5:
0x61: {  	_ = 	snop;
	(pc) =	sbr.rel .LBB2_6-.Ltmp5, $1  }
0x62: {  	_ =	sdelay $0x3  }
.LBB2_8:
0x63: {  	_ =	sfence.sel $0x180000  }
0x64: {  	s2 =	simm.s32 $0x2;
	[bflag:$0x0] =	sbarrier.arrive $0xFFFF  }
0x65: {  	s30 =	simm.s32 $0x3;
	[sflag:s2] =	ssyncpa.u1 $0x1  }
0x66: {  	s31 =	simm.s32 $0x1;
	[sflag:s30] =	ssyncpa.u1 $0x1  }
0x67: {  	[sflag:s31] =	ssyncpa.u1 $0x1  }
0x68: {  	p0 =	sne.s32 s0, $0x0;
	_ =	strace $0x9000004A  }
0x69: {  	s0 =	sadd.s32 @!p0 $0x100000, s1;
	[bflag:$0x2] =	sbarrier.arrive $0xFFFF  }
0x6a: {  	[sflag:s0] =	ssyncadd.tile.s32 @!p0 $0x1;
	_ =	shalt  }
.Lfunc_end2:
_tile_overlayer_lowered:
.L_overlay_start_2:
0x6b: {  	(tag) =	ssettag $0x2  }
0x6c: {  	s0 =	rddreg [dreg:$0x0];
	s2 =	stileid.u32  }
0x6d: {  	s1 =	rddreg [dreg:$0x1];
	p0 =	sne.s32 s2, $0x0  }
0x6e: {  	s3 =	rddreg [dreg:$0x2];
	[bflag:$0x3] =	sbarrier.arrive $0xFFFF;
	s2 =	simm.s32 @!p0 $0x1C01  }
0x6f: {  	[timem:s3], [sflag:s2] =	dma.local @!p0 [hbm:s0], s1  }
0x70: {  	s0 =	simm.s32 @!p0 $0x1  }
0x71: {  	_ =	swait.ge @!p0 [sflag:s0], s1  }
0x72: {  	s1 =	ssub.s32 @!p0 $0x0, s1;
	[sflag:s0] =	ssyncset.done @!p0 $0x0  }
0x73: {  	[sflag:s0] =	ssyncadd.s32 @!p0 s1  }
0x74: {  	[bflag:$0x3] =	sbarrier.arrive $0xFFFF  }
0x75: {  	_ =	shalt  }

</sc_bundles>
